<compile_context>
chip_gen: v7x
topology: tpu7x:2x2x1
jax: 0.10.2.dev20260603
libtpu: 0.0.44.dev20260713+nightly
codegen_flags: <defaults>
</compile_context>

<pallas_src>
import functools

import jax
import jax.numpy as jnp
from jax import lax
from jax.experimental import pallas as pl
from jax.experimental.pallas import tpu as pltpu
from jax.experimental.pallas import tpu_sc as plsc

_P = 196
_PP = 200
_Cv = 128
_V = 100000
_Dnb = 32
_K = 3
_IN = _K * _Dnb + _K
_H = 512
_TILE = 4096
_NT = (_V + _TILE - 1) // _TILE
_NG = 768


def _topk_body(q_ref, t_ref, val_ref, idx_ref, qn_s, t1, t2, t3, i1, i2, i3):
    step = pl.program_id(0)

    @pl.when(step == 0)
    def _init():
        neg = jnp.full((_PP, 128), -jnp.inf, jnp.float32)
        zero = jnp.zeros((_PP, 128), jnp.int32)
        t1[...] = neg
        t2[...] = neg
        t3[...] = neg
        i1[...] = zero
        i2[...] = zero
        i3[...] = zero
        q = q_ref[...]
        qn_s[...] = q / (jnp.sqrt(jnp.sum(q * q, axis=1, keepdims=True))
                         + 1e-12)

    sims = lax.dot_general(
        qn_s[...], t_ref[...], (((1,), (1,)), ((), ())),
        preferred_element_type=jnp.float32, precision=lax.Precision.DEFAULT)

    lane = lax.broadcasted_iota(jnp.int32, (_PP, 128), 1)
    base = step * _TILE
    t1v, t2v, t3v = t1[...], t2[...], t3[...]
    i1v, i2v, i3v = i1[...], i2[...], i3[...]
    for c in range(_TILE // 128):
        v = sims[:, c * 128:(c + 1) * 128]
        if (c + 1) * 128 > _V % _TILE:
            v = jnp.where(lane < _V - base - c * 128, v, -jnp.inf)
        code = step * (_TILE // 128) + c
        c1 = v > t1v
        c2 = v > t2v
        c3 = v > t3v
        m1 = jnp.minimum(t1v, v)
        nt1 = jnp.maximum(t1v, v)
        nt2 = jnp.maximum(t2v, m1)
        nt3 = jnp.maximum(t3v, jnp.minimum(t2v, m1))
        ni1 = jnp.where(c1, code, i1v)
        ni2 = jnp.where(c2, jnp.where(c1, i1v, code), i2v)
        ni3 = jnp.where(c3, jnp.where(c2, i2v, code), i3v)
        t1v, t2v, t3v = nt1, nt2, nt3
        i1v, i2v, i3v = ni1, ni2, ni3
    t1[...] = t1v
    t2[...] = t2v
    t3[...] = t3v
    i1[...] = i1v
    i2[...] = i2v
    i3[...] = i3v

    @pl.when(step == _NT - 1)
    def _merge():
        xs = jnp.concatenate([t1v, t2v, t3v], axis=1)
        gs = jnp.concatenate([i1v * 128 + lane, i2v * 128 + lane,
                              i3v * 128 + lane], axis=1)
        vcols, icols = [], []
        for _ in range(_K):
            m = jnp.max(xs, axis=1, keepdims=True)
            eq = xs == m
            pick = jnp.min(jnp.where(eq, gs, jnp.int32(2**31 - 1)),
                           axis=1, keepdims=True)
            vcols.append(m)
            icols.append(pick)
            xs = jnp.where(eq & (gs == pick), -jnp.inf, xs)
        vpad = jnp.zeros((_PP, 128 - _K), jnp.float32)
        ipad = jnp.zeros((_PP, 128 - _K), jnp.int32)
        val_ref[...] = jnp.concatenate(vcols + [vpad], axis=1)
        idx_ref[...] = jnp.concatenate(icols + [ipad], axis=1)


def _topk_call(q_pad, T_clip):
    return pl.pallas_call(
        _topk_body,
        grid=(_NT,),
        in_specs=[
            pl.BlockSpec((_PP, _Cv), lambda i: (0, 0)),
            pl.BlockSpec((_TILE, _Cv), lambda i: (i, 0)),
        ],
        out_specs=[
            pl.BlockSpec((_PP, 128), lambda i: (0, 0)),
            pl.BlockSpec((_PP, 128), lambda i: (0, 0)),
        ],
        out_shape=[
            jax.ShapeDtypeStruct((_PP, 128), jnp.float32),
            jax.ShapeDtypeStruct((_PP, 128), jnp.int32),
        ],
        scratch_shapes=[pltpu.VMEM((_PP, 128), jnp.float32)] * 4
                      + [pltpu.VMEM((_PP, 128), jnp.int32)] * 3,
        compiler_params=pltpu.CompilerParams(
            dimension_semantics=("arbitrary",)),
    )(q_pad, T_clip)


def _sc_gather(table, flat_idx):
    info = plsc.get_sparse_core_info()
    nc, ns = info.num_cores, info.num_subcores
    nw = nc * ns
    btot = flat_idx.shape[0]
    bw = btot // nw
    width = table.shape[1]
    mesh = plsc.VectorSubcoreMesh(core_axis_name="c", subcore_axis_name="s")

    @functools.partial(
        pl.kernel, mesh=mesh,
        out_type=jax.ShapeDtypeStruct((btot, width), jnp.float32),
        scratch_types=[
            pltpu.VMEM((bw,), jnp.int32),
            pltpu.VMEM((bw, width), jnp.float32),
            pltpu.SemaphoreType.DMA,
        ],
    )
    def gk(table_hbm, idx_hbm, out_hbm, idx_v, rows_v, sem):
        wid = lax.axis_index("s") * nc + lax.axis_index("c")
        base = wid * bw
        pltpu.sync_copy(idx_hbm.at[pl.ds(base, bw)], idx_v)
        pltpu.async_copy(table_hbm.at[idx_v], rows_v, sem).wait()
        pltpu.sync_copy(rows_v, out_hbm.at[pl.ds(base, bw)])

    return gk(table, flat_idx)


def _fuse_body(v_ref, rows_ref, val_ref, idx_ref, lns_ref,
               lnb_ref, w1_ref, b1_ref, w2_ref, b2_ref, wgv_ref, wgn_ref,
               bg_ref, o_ref):
    idx = idx_ref[...]
    nb = []
    for k in range(_K):
        r = rows_ref[256 * k:256 * k + _PP, :]
        sel = lax.rem(idx[:, k:k + 1], 4)
        out = r[:, :_Dnb]
        for s in range(1, 4):
            out = jnp.where(sel == s, r[:, s * _Dnb:(s + 1) * _Dnb], out)
        nb.append(out)
    val = val_ref[...][:, :_K]
    zpad = jnp.zeros((_PP, _Cv - _IN), jnp.float32)
    x = jnp.concatenate(nb + [val, zpad], axis=1)
    lane = lax.broadcasted_iota(jnp.int32, (_PP, 128), 1)
    maskf = (lane < _IN).astype(jnp.float32)
    mu = jnp.sum(x, axis=1, keepdims=True) / _IN
    d = (x - mu) * maskf
    var = jnp.sum(d * d, axis=1, keepdims=True) / _IN
    xh = d / jnp.sqrt(var + 1e-5)
    xh = xh * lns_ref[...] + lnb_ref[...]
    h = lax.dot_general(xh, w1_ref[...], (((1,), (0,)), ((), ())),
                        preferred_element_type=jnp.float32,
                        precision=lax.Precision.HIGHEST)
    h = h + b1_ref[...]
    h = 0.5 * h * (1.0 + lax.erf(h * (2.0 ** -0.5)))
    nb_feat = lax.dot_general(h, w2_ref[...], (((1,), (0,)), ((), ())),
                              preferred_element_type=jnp.float32,
                              precision=lax.Precision.HIGHEST) + b2_ref[...]
    v = v_ref[...]
    gz = (lax.dot_general(v, wgv_ref[...], (((1,), (0,)), ((), ())),
                          preferred_element_type=jnp.float32,
                          precision=lax.Precision.HIGHEST)
          + lax.dot_general(nb_feat, wgn_ref[...], (((1,), (0,)), ((), ())),
                            preferred_element_type=jnp.float32,
                            precision=lax.Precision.HIGHEST)
          + bg_ref[...])
    g = jax.nn.sigmoid(gz)
    f = v + g * nb_feat
    mu2 = jnp.mean(f, axis=1, keepdims=True)
    var2 = jnp.mean((f - mu2) ** 2, axis=1, keepdims=True)
    o_ref[...] = (f - mu2) / jnp.sqrt(var2 + 1e-5)


def _fuse_call(*args):
    return pl.pallas_call(
        _fuse_body,
        out_shape=jax.ShapeDtypeStruct((_PP, _Cv), jnp.float32),
    )(*args)


def kernel(v_seq, T_clip, nb_vecs, ln_scale, ln_bias, W1, b1, W2, b2, Wg, bg):
    q = v_seq[0]
    q_pad = jnp.pad(q, ((0, _PP - _P), (0, 0)))

    vals_p, idx_p = _topk_call(q_pad, T_clip)
    idx = idx_p[:_P, :_K]

    groups = nb_vecs.reshape(_V // 4, 4 * _Dnb)
    flat_idx = jnp.pad((idx >> 2).T, ((0, 0), (0, 60))).reshape(_NG)
    rows = _sc_gather(groups, flat_idx)

    lns = jnp.pad(ln_scale, (0, _Cv - _IN)).reshape(1, _Cv)
    lnb = jnp.pad(ln_bias, (0, _Cv - _IN)).reshape(1, _Cv)
    W1p = jnp.pad(W1, ((0, _Cv - _IN), (0, 0)))
    b1r = b1.reshape(1, _H)
    b2r = b2.reshape(1, _Cv)
    bgr = bg.reshape(1, _Cv)

    out = _fuse_call(q_pad, rows, vals_p, idx_p, lns, lnb, W1p, b1r,
                     W2, b2r, Wg[:_Cv], Wg[_Cv:], bgr)
    return out[:_P].reshape(1, _P, _Cv)

# --- scband reference (transcript-rebuilt; emitter-appended) ---
"""Pipeline reference for scband-nbinjector-67224828117372 (READ-ONLY COPY).

The authoritative reference and input builder live on the scoring server;
editing this copy changes nothing except your own understanding.
"""

import jax, jax.numpy as jnp
import numpy as np

B, P, Cv = 1, 196, 128
V, Dnb, K = 100000, 32, 3
IN = K * Dnb + K
H = 512

def setup_inputs(seed: int = 0):
    key = jax.random.key(seed)
    ks = jax.random.split(key, 8)
    v_seq = jax.random.normal(ks[0], (B, P, Cv), dtype=jnp.float32)
    T_clip = jax.random.normal(ks[1], (V, Cv), dtype=jnp.float32)
    T_clip = T_clip / (jnp.linalg.norm(T_clip, axis=-1, keepdims=True) + 1e-12)
    nb_vecs = jax.random.normal(ks[2], (V, Dnb), dtype=jnp.float32)
    ln_scale = jnp.ones((IN,), jnp.float32)
    ln_bias = jnp.zeros((IN,), jnp.float32)
    W1 = jax.random.normal(ks[3], (IN, H), jnp.float32) * 0.02
    b1 = jnp.zeros((H,), jnp.float32)
    W2 = jax.random.normal(ks[4], (H, Cv), jnp.float32) * 0.02
    b2 = jnp.zeros((Cv,), jnp.float32)
    Wg = jax.random.normal(ks[5], (2 * Cv, Cv), jnp.float32) * 0.02
    bg = jnp.zeros((Cv,), jnp.float32)
    return {"v_seq": v_seq, "T_clip": T_clip, "nb_vecs": nb_vecs, "ln_scale": ln_scale, "ln_bias": ln_bias, "W1": W1, "b1": b1, "W2": W2, "b2": b2, "Wg": Wg, "bg": bg}

def _layer_norm(x, scale=None, bias=None, eps=1e-5):
    mu = jnp.mean(x, axis=-1, keepdims=True)
    var = jnp.mean((x - mu) ** 2, axis=-1, keepdims=True)
    y = (x - mu) / jnp.sqrt(var + eps)
    if scale is not None:
        y = y * scale + bias
    return y

def reference(v_seq, T_clip, nb_vecs, ln_scale, ln_bias, W1, b1, W2, b2, Wg, bg):
    # retrieve(): normalize queries, full-vocab sims, top-k, gather NB vectors
    q = v_seq / (jnp.linalg.norm(v_seq, axis=-1, keepdims=True) + 1e-12)
    S = jnp.einsum('bpc,vc->bpv', q, T_clip)
    val, idx = jax.lax.top_k(S, K)               # (B,P,K) each
    nb_sel = jnp.take(nb_vecs, idx, axis=0)      # (B,P,K,Dnb)
    # fuse_concat(): concat k*Dnb + k scores -> LN -> MLP -> gated residual -> LN
    x = nb_sel.reshape(B, P, K * Dnb)
    x = jnp.concatenate([x, val], axis=-1)       # (B,P,IN)
    xh = _layer_norm(x, ln_scale, ln_bias)
    h = jax.nn.gelu(xh @ W1 + b1, approximate=False)
    nb_feat = h @ W2 + b2                        # (B,P,Cv)
    g = jax.nn.sigmoid(jnp.concatenate([v_seq, nb_feat], axis=-1) @ Wg + bg)
    fused = _layer_norm(v_seq + g * nb_feat)     # non-affine final LN
    return fused

if __name__ == "__main__":
    import jax
    _d = setup_inputs()
    print(jax.jit(kernel)(*tuple(_d.values())))

</pallas_src>

<mosaic_0001>
#map = affine_map<(d0, d1) -> (0, 0)>
#map1 = affine_map<(d0, d1) -> (0)>
module attributes {stable_mosaic.version = 14 : i64} {
  func.func @gk(%arg0: i32, %arg1: i32, %arg2: memref<25000x128xf32, #tpu.memory_space<hbm>>, %arg3: memref<768xi32, #tpu.memory_space<hbm>>, %arg4: memref<768x128xf32, #tpu.memory_space<hbm>>, %arg5: memref<24xi32, #tpu.memory_space<vmem>>, %arg6: memref<24x128xf32, #tpu.memory_space<vmem>>, %arg7: memref<!tpu.dma_semaphore, #tpu.memory_space<semaphore_mem>>) attributes {dimension_semantics = [#tpu.dimension_semantics<core_parallel>, #tpu.dimension_semantics<subcore_parallel>], iteration_bounds = array<i64: 2, 16>, scalar_prefetch = 0 : i64, scratch_operands = 3 : i64, tpu.core_type = #tpu.core_type<sc_vector_subcore>, window_params = [{transform_indices = #map}, {transform_indices = #map1}, {transform_indices = #map}]} {
    %mul3A = arith.constant 2 : i32
    %mul3A_0 = arith.muli %arg1, %mul3A : i32
    %add3A = arith.addi %mul3A_0, %arg0 : i32
    %mul3A_1 = arith.constant 24 : i32
    %mul3A_2 = arith.muli %add3A, %mul3A_1 : i32
    "tpu.region"() ({
      %run_scoped3A = tpu.sem_alloc : memref<!tpu.dma_semaphore, #tpu.memory_space<semaphore_mem>>
      %dma_start3A_7 = tpu.memref_slice %arg3[%mul3A_2] : memref<768xi32, #tpu.memory_space<hbm>> -> memref<24xi32, #tpu.memory_space<hbm>>
      %dma_start3A_8 = tpu.memref_slice %arg3[%mul3A_2] : memref<768xi32, #tpu.memory_space<hbm>> -> memref<24xi32, #tpu.memory_space<hbm>>
      tpu.enqueue_dma source(%dma_start3A_8 : memref<24xi32, #tpu.memory_space<hbm>>) target(%arg5 : memref<24xi32, #tpu.memory_space<vmem>>) target_semaphore(%run_scoped3A : memref<!tpu.dma_semaphore, #tpu.memory_space<semaphore_mem>>)
      %dma_wait3A_9 = tpu.memref_slice %arg3[%mul3A_2] : memref<768xi32, #tpu.memory_space<hbm>> -> memref<24xi32, #tpu.memory_space<hbm>>
      %dma_wait3A_10 = tpu.memref_slice %arg3[%mul3A_2] : memref<768xi32, #tpu.memory_space<hbm>> -> memref<24xi32, #tpu.memory_space<hbm>>
      tpu.wait_dma2 semaphore(%run_scoped3A : memref<!tpu.dma_semaphore, #tpu.memory_space<semaphore_mem>>) src(%dma_wait3A_10 : memref<24xi32, #tpu.memory_space<hbm>>) dst(%arg5 : memref<24xi32, #tpu.memory_space<vmem>>)
      tpu.yield
    }) : () -> ()
    %dma_start3A = arith.constant 0 : i32
    %dma_start3A_3 = arith.constant 0 : i32
    %dma_start3A_4 = tpu.memref_slice %arg2[%dma_start3A, %dma_start3A_3] : memref<25000x128xf32, #tpu.memory_space<hbm>> -> memref<25000x128xf32, #tpu.memory_space<hbm>>
    tpu.enqueue_indirect_dma source(%dma_start3A_4 : memref<25000x128xf32, #tpu.memory_space<hbm>>) target(%arg6 : memref<24x128xf32, #tpu.memory_space<vmem>>) offsets(%arg5 : memref<24xi32, #tpu.memory_space<vmem>>) semaphore(%arg7 : memref<!tpu.dma_semaphore, #tpu.memory_space<semaphore_mem>>)
    %dma_wait3A = arith.constant 0 : i32
    %dma_wait3A_5 = arith.constant 0 : i32
    %dma_wait3A_6 = tpu.memref_slice %arg2[%dma_wait3A, %dma_wait3A_5] : memref<25000x128xf32, #tpu.memory_space<hbm>> -> memref<25000x128xf32, #tpu.memory_space<hbm>>
    tpu.wait_indirect_dma semaphore(%arg7 : memref<!tpu.dma_semaphore, #tpu.memory_space<semaphore_mem>>) src(%dma_wait3A_6 : memref<25000x128xf32, #tpu.memory_space<hbm>>) dst(%arg6 : memref<24x128xf32, #tpu.memory_space<vmem>>)
    "tpu.region"() ({
      %run_scoped3A = tpu.sem_alloc : memref<!tpu.dma_semaphore, #tpu.memory_space<semaphore_mem>>
      %dma_start3A_7 = arith.constant 0 : i32
      %dma_start3A_8 = tpu.memref_slice %arg4[%mul3A_2, %dma_start3A_7] : memref<768x128xf32, #tpu.memory_space<hbm>> -> memref<24x128xf32, #tpu.memory_space<hbm>>
      %dma_start3A_9 = arith.constant 0 : i32
      %dma_start3A_10 = tpu.memref_slice %arg4[%mul3A_2, %dma_start3A_9] : memref<768x128xf32, #tpu.memory_space<hbm>> -> memref<24x128xf32, #tpu.memory_space<hbm>>
      tpu.enqueue_dma source(%arg6 : memref<24x128xf32, #tpu.memory_space<vmem>>) target(%dma_start3A_10 : memref<24x128xf32, #tpu.memory_space<hbm>>) target_semaphore(%run_scoped3A : memref<!tpu.dma_semaphore, #tpu.memory_space<semaphore_mem>>)
      %dma_wait3A_11 = arith.constant 0 : i32
      %dma_wait3A_12 = tpu.memref_slice %arg4[%mul3A_2, %dma_wait3A_11] : memref<768x128xf32, #tpu.memory_space<hbm>> -> memref<24x128xf32, #tpu.memory_space<hbm>>
      %dma_wait3A_13 = arith.constant 0 : i32
      %dma_wait3A_14 = tpu.memref_slice %arg4[%mul3A_2, %dma_wait3A_13] : memref<768x128xf32, #tpu.memory_space<hbm>> -> memref<24x128xf32, #tpu.memory_space<hbm>>
      tpu.wait_dma2 semaphore(%run_scoped3A : memref<!tpu.dma_semaphore, #tpu.memory_space<semaphore_mem>>) src(%arg6 : memref<24x128xf32, #tpu.memory_space<vmem>>) dst(%dma_wait3A_14 : memref<24x128xf32, #tpu.memory_space<hbm>>)
      tpu.yield
    }) : () -> ()
    return
  }
}

module attributes {stable_mosaic.version = 14 : i64} {
  func.func @_topk_body(%arg0: i32, %arg1: memref<200x128xf32, #tpu.memory_space<vmem>>, %arg2: memref<4096x128xf32, #tpu.memory_space<vmem>>, %arg3: memref<200x128xf32, #tpu.memory_space<vmem>>, %arg4: memref<200x128xi32, #tpu.memory_space<vmem>>, %arg5: memref<200x128xf32, #tpu.memory_space<vmem>>, %arg6: memref<200x128xf32, #tpu.memory_space<vmem>>, %arg7: memref<200x128xf32, #tpu.memory_space<vmem>>, %arg8: memref<200x128xf32, #tpu.memory_space<vmem>>, %arg9: memref<200x128xi32, #tpu.memory_space<vmem>>, %arg10: memref<200x128xi32, #tpu.memory_space<vmem>>, %arg11: memref<200x128xi32, #tpu.memory_space<vmem>>) attributes {dimension_semantics = [#tpu.dimension_semantics<arbitrary>], iteration_bounds = array<i64: 25>, scalar_prefetch = 0 : i64, scratch_operands = 7 : i64, tpu.core_type = #tpu.core_type<tc>, window_params = [{pipeline_mode = #tpu.pipeline_mode<synchronous>, transform_indices = @transform_0, window_bounds = array<i64: 200, 128>}, {transform_indices = @transform_1, window_bounds = array<i64: 4096, 128>}, {pipeline_mode = #tpu.pipeline_mode<synchronous>, transform_indices = @transform_2, window_bounds = array<i64: 200, 128>}, {pipeline_mode = #tpu.pipeline_mode<synchronous>, transform_indices = @transform_3, window_bounds = array<i64: 200, 128>}]} {
    %eq3A = arith.constant 0 : i32
    %eq3A_0 = arith.cmpi eq, %arg0, %eq3A : i32
    %convert_element_type3A = arith.extui %eq3A_0 : i1 to i32
    %cond3A = arith.constant 0 : i32
    %cond3A_1 = arith.cmpi ne, %convert_element_type3A, %cond3A : i32
    scf.if %cond3A_1 {
      %broadcast_in_dim3A_882 = arith.constant 0xFF800000 : f32
      %broadcast_in_dim3A_883 = vector.broadcast %broadcast_in_dim3A_882 : f32 to vector<200x128xf32>
      %broadcast_in_dim3A_884 = arith.constant 0 : i32
      %broadcast_in_dim3A_885 = vector.broadcast %broadcast_in_dim3A_884 : i32 to vector<200x128xi32>
      %swap3A_886 = arith.constant 0 : index
      %swap3A_887 = arith.constant 0 : index
      %swap3A_888 = vector.load %arg6[%swap3A_886, %swap3A_887] : memref<200x128xf32, #tpu.memory_space<vmem>>, vector<200x128xf32>
      tpu.vector_store %arg6[%swap3A_886, %swap3A_887], %broadcast_in_dim3A_883 {strides = array<i32>} : memref<200x128xf32, #tpu.memory_space<vmem>>, vector<200x128xf32>,
      %swap3A_889 = arith.constant 0 : index
      %swap3A_890 = arith.constant 0 : index
      %swap3A_891 = vector.load %arg7[%swap3A_889, %swap3A_890] : memref<200x128xf32, #tpu.memory_space<vmem>>, vector<200x128xf32>
      tpu.vector_store %arg7[%swap3A_889, %swap3A_890], %broadcast_in_dim3A_883 {strides = array<i32>} : memref<200x128xf32, #tpu.memory_space<vmem>>, vector<200x128xf32>,
      %swap3A_892 = arith.constant 0 : index
      %swap3A_893 = arith.constant 0 : index
      %swap3A_894 = vector.load %arg8[%swap3A_892, %swap3A_893] : memref<200x128xf32, #tpu.memory_space<vmem>>, vector<200x128xf32>
      tpu.vector_store %arg8[%swap3A_892, %swap3A_893], %broadcast_in_dim3A_883 {strides = array<i32>} : memref<200x128xf32, #tpu.memory_space<vmem>>, vector<200x128xf32>,
      %swap3A_895 = arith.constant 0 : index
      %swap3A_896 = arith.constant 0 : index
      %swap3A_897 = vector.load %arg9[%swap3A_895, %swap3A_896] : memref<200x128xi32, #tpu.memory_space<vmem>>, vector<200x128xi32>
      tpu.vector_store %arg9[%swap3A_895, %swap3A_896], %broadcast_in_dim3A_885 {strides = array<i32>} : memref<200x128xi32, #tpu.memory_space<vmem>>, vector<200x128xi32>,
      %swap3A_898 = arith.constant 0 : index
      %swap3A_899 = arith.constant 0 : index
      %swap3A_900 = vector.load %arg10[%swap3A_898, %swap3A_899] : memref<200x128xi32, #tpu.memory_space<vmem>>, vector<200x128xi32>
      tpu.vector_store %arg10[%swap3A_898, %swap3A_899], %broadcast_in_dim3A_885 {strides = array<i32>} : memref<200x128xi32, #tpu.memory_space<vmem>>, vector<200x128xi32>,
      %swap3A_901 = arith.constant 0 : index
      %swap3A_902 = arith.constant 0 : index
      %swap3A_903 = vector.load %arg11[%swap3A_901, %swap3A_902] : memref<200x128xi32, #tpu.memory_space<vmem>>, vector<200x128xi32>
      tpu.vector_store %arg11[%swap3A_901, %swap3A_902], %broadcast_in_dim3A_885 {strides = array<i32>} : memref<200x128xi32, #tpu.memory_space<vmem>>, vector<200x128xi32>,
      %get3A_904 = arith.constant 0 : index
      %get3A_905 = arith.constant 0 : index
      %get3A_906 = vector.load %arg1[%get3A_904, %get3A_905] : memref<200x128xf32, #tpu.memory_space<vmem>>, vector<200x128xf32>
      %mul3A_907 = arith.mulf %get3A_906, %get3A_906 : vector<200x128xf32>
      %reduce_sum3A = arith.constant dense<0.000000e+00> : vector<200xf32>
      %reduce_sum3A_908 = vector.multi_reduction <add>, %mul3A_907, %reduce_sum3A [1] : vector<200x128xf32> to vector<200xf32>
      %broadcast_in_dim3A_909 = vector.shape_cast %reduce_sum3A_908 : vector<200xf32> to vector<200x1xf32>
      %sqrt3A = math.sqrt %broadcast_in_dim3A_909 : vector<200x1xf32>
      %add3A_910 = arith.constant 9.99999996E-13 : f32
      %add3A_911 = vector.broadcast %add3A_910 : f32 to vector<200x1xf32>
      %add3A_912 = arith.addf %sqrt3A, %add3A_911 : vector<200x1xf32>
      %div3A = vector.broadcast %add3A_912 : vector<200x1xf32> to vector<200x128xf32>
      %div3A_913 = arith.divf %get3A_906, %div3A : vector<200x128xf32>
      %swap3A_914 = arith.constant 0 : index
      %swap3A_915 = arith.constant 0 : index
      %swap3A_916 = vector.load %arg5[%swap3A_914, %swap3A_915] : memref<200x128xf32, #tpu.memory_space<vmem>>, vector<200x128xf32>
      tpu.vector_store %arg5[%swap3A_914, %swap3A_915], %div3A_913 {strides = array<i32>} : memref<200x128xf32, #tpu.memory_space<vmem>>, vector<200x128xf32>,
    } else {
    }
    %get3A = arith.constant 0 : index
    %get3A_2 = arith.constant 0 : index
    %get3A_3 = vector.load %arg5[%get3A, %get3A_2] : memref<200x128xf32, #tpu.memory_space<vmem>>, vector<200x128xf32>
    %get3A_4 = arith.constant 0 : index
    %get3A_5 = arith.constant 0 : index
    %get3A_6 = vector.load %arg2[%get3A_4, %get3A_5] : memref<4096x128xf32, #tpu.memory_space<vmem>>, vector<4096x128xf32>
    %dot_general3A = arith.constant dense<0.000000e+00> : vector<200x4096xf32>
    %dot_general3A_7 = tpu.matmul %get3A_3, %get3A_6, %dot_general3A {dimension_numbers = #tpu.dot_dimension_numbers<[1], [1], [0], [0], [0, 0, 1, 0], [], []>, transpose_lhs_hint = false} : vector<200x128xf32>, vector<4096x128xf32>, vector<200x4096xf32> -> vector<200x4096xf32>
    %iota3A = tpu.iota {dimensions = array<i32: 1>} : vector<200x128xi32>
    %mul3A = arith.constant 4096 : i32
    %mul3A_8 = arith.muli %arg0, %mul3A : i32
    %get3A_9 = arith.constant 0 : index
    %get3A_10 = arith.constant 0 : index
    %get3A_11 = vector.load %arg6[%get3A_9, %get3A_10] : memref<200x128xf32, #tpu.memory_space<vmem>>, vector<200x128xf32>
    %get3A_12 = arith.constant 0 : index
    %get3A_13 = arith.constant 0 : index
    %get3A_14 = vector.load %arg7[%get3A_12, %get3A_13] : memref<200x128xf32, #tpu.memory_space<vmem>>, vector<200x128xf32>
    %get3A_15 = arith.constant 0 : index
    %get3A_16 = arith.constant 0 : index
    %get3A_17 = vector.load %arg8[%get3A_15, %get3A_16] : memref<200x128xf32, #tpu.memory_space<vmem>>, vector<200x128xf32>
    %get3A_18 = arith.constant 0 : index
    %get3A_19 = arith.constant 0 : index
    %get3A_20 = vector.load %arg9[%get3A_18, %get3A_19] : memref<200x128xi32, #tpu.memory_space<vmem>>, vector<200x128xi32>
    %get3A_21 = arith.constant 0 : index
    %get3A_22 = arith.constant 0 : index
    %get3A_23 = vector.load %arg10[%get3A_21, %get3A_22] : memref<200x128xi32, #tpu.memory_space<vmem>>, vector<200x128xi32>
    %get3A_24 = arith.constant 0 : index
    %get3A_25 = arith.constant 0 : index
    %get3A_26 = vector.load %arg11[%get3A_24, %get3A_25] : memref<200x128xi32, #tpu.memory_space<vmem>>, vector<200x128xi32>
    %slice3A = vector.extract_strided_slice %dot_general3A_7 {offsets = [0, 0], sizes = [200, 128], strides = [1, 1]} : vector<200x4096xf32> to vector<200x128xf32>
    %mul3A_27 = arith.constant 32 : i32
    %mul3A_28 = arith.muli %arg0, %mul3A_27 : i32
    %add3A = arith.constant 0 : i32
    %add3A_29 = arith.addi %mul3A_28, %add3A : i32
    %gt3A = arith.cmpf ogt, %slice3A, %get3A_11 : vector<200x128xf32>
    %gt3A_30 = arith.cmpf ogt, %slice3A, %get3A_14 : vector<200x128xf32>
    %gt3A_31 = arith.cmpf ogt, %slice3A, %get3A_17 : vector<200x128xf32>
    %min3A = arith.minimumf %get3A_11, %slice3A : vector<200x128xf32>
    %max3A = arith.maximumf %get3A_11, %slice3A : vector<200x128xf32>
    %max3A_32 = arith.maximumf %get3A_14, %min3A : vector<200x128xf32>
    %min3A_33 = arith.minimumf %get3A_14, %min3A : vector<200x128xf32>
    %max3A_34 = arith.maximumf %get3A_17, %min3A_33 : vector<200x128xf32>
    %broadcast_in_dim3A = vector.broadcast %add3A_29 : i32 to vector<200x128xi32>
    %select_n3A = arith.select %gt3A, %broadcast_in_dim3A, %get3A_20 : vector<200x128xi1>, vector<200x128xi32>
    %broadcast_in_dim3A_35 = vector.broadcast %add3A_29 : i32 to vector<200x128xi32>
    %select_n3A_36 = arith.select %gt3A, %get3A_20, %broadcast_in_dim3A_35 : vector<200x128xi1>, vector<200x128xi32>
    %select_n3A_37 = arith.select %gt3A_30, %select_n3A_36, %get3A_23 : vector<200x128xi1>, vector<200x128xi32>
    %broadcast_in_dim3A_38 = vector.broadcast %add3A_29 : i32 to vector<200x128xi32>
    %select_n3A_39 = arith.select %gt3A_30, %get3A_23, %broadcast_in_dim3A_38 : vector<200x128xi1>, vector<200x128xi32>
    %select_n3A_40 = arith.select %gt3A_31, %select_n3A_39, %get3A_26 : vector<200x128xi1>, vector<200x128xi32>
    %slice3A_41 = vector.extract_strided_slice %dot_general3A_7 {offsets = [0, 128], sizes = [200, 128], strides = [1, 1]} : vector<200x4096xf32> to vector<200x128xf32>
    %mul3A_42 = arith.constant 32 : i32
    %mul3A_43 = arith.muli %arg0, %mul3A_42 : i32
    %add3A_44 = arith.constant 1 : i32
    %add3A_45 = arith.addi %mul3A_43, %add3A_44 : i32
    %gt3A_46 = arith.cmpf ogt, %slice3A_41, %max3A : vector<200x128xf32>
    %gt3A_47 = arith.cmpf ogt, %slice3A_41, %max3A_32 : vector<200x128xf32>
    %gt3A_48 = arith.cmpf ogt, %slice3A_41, %max3A_34 : vector<200x128xf32>
    %min3A_49 = arith.minimumf %max3A, %slice3A_41 : vector<200x128xf32>
    %max3A_50 = arith.maximumf %max3A, %slice3A_41 : vector<200x128xf32>
    %max3A_51 = arith.maximumf %max3A_32, %min3A_49 : vector<200x128xf32>
    %min3A_52 = arith.minimumf %max3A_32, %min3A_49 : vector<200x128xf32>
    %max3A_53 = arith.maximumf %max3A_34, %min3A_52 : vector<200x128xf32>
    %broadcast_in_dim3A_54 = vector.broadcast %add3A_45 : i32 to vector<200x128xi32>
    %select_n3A_55 = arith.select %gt3A_46, %broadcast_in_dim3A_54, %select_n3A : vector<200x128xi1>, vector<200x128xi32>
    %broadcast_in_dim3A_56 = vector.broadcast %add3A_45 : i32 to vector<200x128xi32>
    %select_n3A_57 = arith.select %gt3A_46, %select_n3A, %broadcast_in_dim3A_56 : vector<200x128xi1>, vector<200x128xi32>
    %select_n3A_58 = arith.select %gt3A_47, %select_n3A_57, %select_n3A_37 : vector<200x128xi1>, vector<200x128xi32>
    %broadcast_in_dim3A_59 = vector.broadcast %add3A_45 : i32 to vector<200x128xi32>
    %select_n3A_60 = arith.select %gt3A_47, %select_n3A_37, %broadcast_in_dim3A_59 : vector<200x128xi1>, vector<200x128xi32>
    %select_n3A_61 = arith.select %gt3A_48, %select_n3A_60, %select_n3A_40 : vector<200x128xi1>, vector<200x128xi32>
    %slice3A_62 = vector.extract_strided_slice %dot_general3A_7 {offsets = [0, 256], sizes = [200, 128], strides = [1, 1]} : vector<200x4096xf32> to vector<200x128xf32>
    %mul3A_63 = arith.constant 32 : i32
    %mul3A_64 = arith.muli %arg0, %mul3A_63 : i32
    %add3A_65 = arith.constant 2 : i32
    %add3A_66 = arith.addi %mul3A_64, %add3A_65 : i32
    %gt3A_67 = arith.cmpf ogt, %slice3A_62, %max3A_50 : vector<200x128xf32>
    %gt3A_68 = arith.cmpf ogt, %slice3A_62, %max3A_51 : vector<200x128xf32>
    %gt3A_69 = arith.cmpf ogt, %slice3A_62, %max3A_53 : vector<200x128xf32>
    %min3A_70 = arith.minimumf %max3A_50, %slice3A_62 : vector<200x128xf32>
    %max3A_71 = arith.maximumf %max3A_50, %slice3A_62 : vector<200x128xf32>
    %max3A_72 = arith.maximumf %max3A_51, %min3A_70 : vector<200x128xf32>
    %min3A_73 = arith.minimumf %max3A_51, %min3A_70 : vector<200x128xf32>
    %max3A_74 = arith.maximumf %max3A_53, %min3A_73 : vector<200x128xf32>
    %broadcast_in_dim3A_75 = vector.broadcast %add3A_66 : i32 to vector<200x128xi32>
    %select_n3A_76 = arith.select %gt3A_67, %broadcast_in_dim3A_75, %select_n3A_55 : vector<200x128xi1>, vector<200x128xi32>
    %broadcast_in_dim3A_77 = vector.broadcast %add3A_66 : i32 to vector<200x128xi32>
    %select_n3A_78 = arith.select %gt3A_67, %select_n3A_55, %broadcast_in_dim3A_77 : vector<200x128xi1>, vector<200x128xi32>
    %select_n3A_79 = arith.select %gt3A_68, %select_n3A_78, %select_n3A_58 : vector<200x128xi1>, vector<200x128xi32>
    %broadcast_in_dim3A_80 = vector.broadcast %add3A_66 : i32 to vector<200x128xi32>
    %select_n3A_81 = arith.select %gt3A_68, %select_n3A_58, %broadcast_in_dim3A_80 : vector<200x128xi1>, vector<200x128xi32>
    %select_n3A_82 = arith.select %gt3A_69, %select_n3A_81, %select_n3A_61 : vector<200x128xi1>, vector<200x128xi32>
    %slice3A_83 = vector.extract_strided_slice %dot_general3A_7 {offsets = [0, 384], sizes = [200, 128], strides = [1, 1]} : vector<200x4096xf32> to vector<200x128xf32>
    %mul3A_84 = arith.constant 32 : i32
    %mul3A_85 = arith.muli %arg0, %mul3A_84 : i32
    %add3A_86 = arith.constant 3 : i32
    %add3A_87 = arith.addi %mul3A_85, %add3A_86 : i32
    %gt3A_88 = arith.cmpf ogt, %slice3A_83, %max3A_71 : vector<200x128xf32>
    %gt3A_89 = arith.cmpf ogt, %slice3A_83, %max3A_72 : vector<200x128xf32>
    %gt3A_90 = arith.cmpf ogt, %slice3A_83, %max3A_74 : vector<200x128xf32>
    %min3A_91 = arith.minimumf %max3A_71, %slice3A_83 : vector<200x128xf32>
    %max3A_92 = arith.maximumf %max3A_71, %slice3A_83 : vector<200x128xf32>
    %max3A_93 = arith.maximumf %max3A_72, %min3A_91 : vector<200x128xf32>
    %min3A_94 = arith.minimumf %max3A_72, %min3A_91 : vector<200x128xf32>
    %max3A_95 = arith.maximumf %max3A_74, %min3A_94 : vector<200x128xf32>
    %broadcast_in_dim3A_96 = vector.broadcast %add3A_87 : i32 to vector<200x128xi32>
    %select_n3A_97 = arith.select %gt3A_88, %broadcast_in_dim3A_96, %select_n3A_76 : vector<200x128xi1>, vector<200x128xi32>
    %broadcast_in_dim3A_98 = vector.broadcast %add3A_87 : i32 to vector<200x128xi32>
    %select_n3A_99 = arith.select %gt3A_88, %select_n3A_76, %broadcast_in_dim3A_98 : vector<200x128xi1>, vector<200x128xi32>
    %select_n3A_100 = arith.select %gt3A_89, %select_n3A_99, %select_n3A_79 : vector<200x128xi1>, vector<200x128xi32>
    %broadcast_in_dim3A_101 = vector.broadcast %add3A_87 : i32 to vector<200x128xi32>
    %select_n3A_102 = arith.select %gt3A_89, %select_n3A_79, %broadcast_in_dim3A_101 : vector<200x128xi1>, vector<200x128xi32>
    %select_n3A_103 = arith.select %gt3A_90, %select_n3A_102, %select_n3A_82 : vector<200x128xi1>, vector<200x128xi32>
    %slice3A_104 = vector.extract_strided_slice %dot_general3A_7 {offsets = [0, 512], sizes = [200, 128], strides = [1, 1]} : vector<200x4096xf32> to vector<200x128xf32>
    %mul3A_105 = arith.constant 32 : i32
    %mul3A_106 = arith.muli %arg0, %mul3A_105 : i32
    %add3A_107 = arith.constant 4 : i32
    %add3A_108 = arith.addi %mul3A_106, %add3A_107 : i32
    %gt3A_109 = arith.cmpf ogt, %slice3A_104, %max3A_92 : vector<200x128xf32>
    %gt3A_110 = arith.cmpf ogt, %slice3A_104, %max3A_93 : vector<200x128xf32>
    %gt3A_111 = arith.cmpf ogt, %slice3A_104, %max3A_95 : vector<200x128xf32>
    %min3A_112 = arith.minimumf %max3A_92, %slice3A_104 : vector<200x128xf32>
    %max3A_113 = arith.maximumf %max3A_92, %slice3A_104 : vector<200x128xf32>
    %max3A_114 = arith.maximumf %max3A_93, %min3A_112 : vector<200x128xf32>
    %min3A_115 = arith.minimumf %max3A_93, %min3A_112 : vector<200x128xf32>
    %max3A_116 = arith.maximumf %max3A_95, %min3A_115 : vector<200x128xf32>
    %broadcast_in_dim3A_117 = vector.broadcast %add3A_108 : i32 to vector<200x128xi32>
    %select_n3A_118 = arith.select %gt3A_109, %broadcast_in_dim3A_117, %select_n3A_97 : vector<200x128xi1>, vector<200x128xi32>
    %broadcast_in_dim3A_119 = vector.broadcast %add3A_108 : i32 to vector<200x128xi32>
    %select_n3A_120 = arith.select %gt3A_109, %select_n3A_97, %broadcast_in_dim3A_119 : vector<200x128xi1>, vector<200x128xi32>
    %select_n3A_121 = arith.select %gt3A_110, %select_n3A_120, %select_n3A_100 : vector<200x128xi1>, vector<200x128xi32>
    %broadcast_in_dim3A_122 = vector.broadcast %add3A_108 : i32 to vector<200x128xi32>
    %select_n3A_123 = arith.select %gt3A_110, %select_n3A_100, %broadcast_in_dim3A_122 : vector<200x128xi1>, vector<200x128xi32>
    %select_n3A_124 = arith.select %gt3A_111, %select_n3A_123, %select_n3A_103 : vector<200x128xi1>, vector<200x128xi32>
    %slice3A_125 = vector.extract_strided_slice %dot_general3A_7 {offsets = [0, 640], sizes = [200, 128], strides = [1, 1]} : vector<200x4096xf32> to vector<200x128xf32>
    %mul3A_126 = arith.constant 32 : i32
    %mul3A_127 = arith.muli %arg0, %mul3A_126 : i32
    %add3A_128 = arith.constant 5 : i32
    %add3A_129 = arith.addi %mul3A_127, %add3A_128 : i32
    %gt3A_130 = arith.cmpf ogt, %slice3A_125, %max3A_113 : vector<200x128xf32>
    %gt3A_131 = arith.cmpf ogt, %slice3A_125, %max3A_114 : vector<200x128xf32>
    %gt3A_132 = arith.cmpf ogt, %slice3A_125, %max3A_116 : vector<200x128xf32>
    %min3A_133 = arith.minimumf %max3A_113, %slice3A_125 : vector<200x128xf32>
    %max3A_134 = arith.maximumf %max3A_113, %slice3A_125 : vector<200x128xf32>
    %max3A_135 = arith.maximumf %max3A_114, %min3A_133 : vector<200x128xf32>
    %min3A_136 = arith.minimumf %max3A_114, %min3A_133 : vector<200x128xf32>
    %max3A_137 = arith.maximumf %max3A_116, %min3A_136 : vector<200x128xf32>
    %broadcast_in_dim3A_138 = vector.broadcast %add3A_129 : i32 to vector<200x128xi32>
    %select_n3A_139 = arith.select %gt3A_130, %broadcast_in_dim3A_138, %select_n3A_118 : vector<200x128xi1>, vector<200x128xi32>
    %broadcast_in_dim3A_140 = vector.broadcast %add3A_129 : i32 to vector<200x128xi32>
    %select_n3A_141 = arith.select %gt3A_130, %select_n3A_118, %broadcast_in_dim3A_140 : vector<200x128xi1>, vector<200x128xi32>
    %select_n3A_142 = arith.select %gt3A_131, %select_n3A_141, %select_n3A_121 : vector<200x128xi1>, vector<200x128xi32>
    %broadcast_in_dim3A_143 = vector.broadcast %add3A_129 : i32 to vector<200x128xi32>
    %select_n3A_144 = arith.select %gt3A_131, %select_n3A_121, %broadcast_in_dim3A_143 : vector<200x128xi1>, vector<200x128xi32>
    %select_n3A_145 = arith.select %gt3A_132, %select_n3A_144, %select_n3A_124 : vector<200x128xi1>, vector<200x128xi32>
    %slice3A_146 = vector.extract_strided_slice %dot_general3A_7 {offsets = [0, 768], sizes = [200, 128], strides = [1, 1]} : vector<200x4096xf32> to vector<200x128xf32>
    %mul3A_147 = arith.constant 32 : i32
    %mul3A_148 = arith.muli %arg0, %mul3A_147 : i32
    %add3A_149 = arith.constant 6 : i32
    %add3A_150 = arith.addi %mul3A_148, %add3A_149 : i32
    %gt3A_151 = arith.cmpf ogt, %slice3A_146, %max3A_134 : vector<200x128xf32>
    %gt3A_152 = arith.cmpf ogt, %slice3A_146, %max3A_135 : vector<200x128xf32>
    %gt3A_153 = arith.cmpf ogt, %slice3A_146, %max3A_137 : vector<200x128xf32>
    %min3A_154 = arith.minimumf %max3A_134, %slice3A_146 : vector<200x128xf32>
    %max3A_155 = arith.maximumf %max3A_134, %slice3A_146 : vector<200x128xf32>
    %max3A_156 = arith.maximumf %max3A_135, %min3A_154 : vector<200x128xf32>
    %min3A_157 = arith.minimumf %max3A_135, %min3A_154 : vector<200x128xf32>
    %max3A_158 = arith.maximumf %max3A_137, %min3A_157 : vector<200x128xf32>
    %broadcast_in_dim3A_159 = vector.broadcast %add3A_150 : i32 to vector<200x128xi32>
    %select_n3A_160 = arith.select %gt3A_151, %broadcast_in_dim3A_159, %select_n3A_139 : vector<200x128xi1>, vector<200x128xi32>
    %broadcast_in_dim3A_161 = vector.broadcast %add3A_150 : i32 to vector<200x128xi32>
    %select_n3A_162 = arith.select %gt3A_151, %select_n3A_139, %broadcast_in_dim3A_161 : vector<200x128xi1>, vector<200x128xi32>
    %select_n3A_163 = arith.select %gt3A_152, %select_n3A_162, %select_n3A_142 : vector<200x128xi1>, vector<200x128xi32>
    %broadcast_in_dim3A_164 = vector.broadcast %add3A_150 : i32 to vector<200x128xi32>
    %select_n3A_165 = arith.select %gt3A_152, %select_n3A_142, %broadcast_in_dim3A_164 : vector<200x128xi1>, vector<200x128xi32>
    %select_n3A_166 = arith.select %gt3A_153, %select_n3A_165, %select_n3A_145 : vector<200x128xi1>, vector<200x128xi32>
    %slice3A_167 = vector.extract_strided_slice %dot_general3A_7 {offsets = [0, 896], sizes = [200, 128], strides = [1, 1]} : vector<200x4096xf32> to vector<200x128xf32>
    %mul3A_168 = arith.constant 32 : i32
    %mul3A_169 = arith.muli %arg0, %mul3A_168 : i32
    %add3A_170 = arith.constant 7 : i32
    %add3A_171 = arith.addi %mul3A_169, %add3A_170 : i32
    %gt3A_172 = arith.cmpf ogt, %slice3A_167, %max3A_155 : vector<200x128xf32>
    %gt3A_173 = arith.cmpf ogt, %slice3A_167, %max3A_156 : vector<200x128xf32>
    %gt3A_174 = arith.cmpf ogt, %slice3A_167, %max3A_158 : vector<200x128xf32>
    %min3A_175 = arith.minimumf %max3A_155, %slice3A_167 : vector<200x128xf32>
    %max3A_176 = arith.maximumf %max3A_155, %slice3A_167 : vector<200x128xf32>
    %max3A_177 = arith.maximumf %max3A_156, %min3A_175 : vector<200x128xf32>
    %min3A_178 = arith.minimumf %max3A_156, %min3A_175 : vector<200x128xf32>
    %max3A_179 = arith.maximumf %max3A_158, %min3A_178 : vector<200x128xf32>
    %broadcast_in_dim3A_180 = vector.broadcast %add3A_171 : i32 to vector<200x128xi32>
    %select_n3A_181 = arith.select %gt3A_172, %broadcast_in_dim3A_180, %select_n3A_160 : vector<200x128xi1>, vector<200x128xi32>
    %broadcast_in_dim3A_182 = vector.broadcast %add3A_171 : i32 to vector<200x128xi32>
    %select_n3A_183 = arith.select %gt3A_172, %select_n3A_160, %broadcast_in_dim3A_182 : vector<200x128xi1>, vector<200x128xi32>
    %select_n3A_184 = arith.select %gt3A_173, %select_n3A_183, %select_n3A_163 : vector<200x128xi1>, vector<200x128xi32>
    %broadcast_in_dim3A_185 = vector.broadcast %add3A_171 : i32 to vector<200x128xi32>
    %select_n3A_186 = arith.select %gt3A_173, %select_n3A_163, %broadcast_in_dim3A_185 : vector<200x128xi1>, vector<200x128xi32>
    %select_n3A_187 = arith.select %gt3A_174, %select_n3A_186, %select_n3A_166 : vector<200x128xi1>, vector<200x128xi32>
    %slice3A_188 = vector.extract_strided_slice %dot_general3A_7 {offsets = [0, 1024], sizes = [200, 128], strides = [1, 1]} : vector<200x4096xf32> to vector<200x128xf32>
    %mul3A_189 = arith.constant 32 : i32
    %mul3A_190 = arith.muli %arg0, %mul3A_189 : i32
    %add3A_191 = arith.constant 8 : i32
    %add3A_192 = arith.addi %mul3A_190, %add3A_191 : i32
    %gt3A_193 = arith.cmpf ogt, %slice3A_188, %max3A_176 : vector<200x128xf32>
    %gt3A_194 = arith.cmpf ogt, %slice3A_188, %max3A_177 : vector<200x128xf32>
    %gt3A_195 = arith.cmpf ogt, %slice3A_188, %max3A_179 : vector<200x128xf32>
    %min3A_196 = arith.minimumf %max3A_176, %slice3A_188 : vector<200x128xf32>
    %max3A_197 = arith.maximumf %max3A_176, %slice3A_188 : vector<200x128xf32>
    %max3A_198 = arith.maximumf %max3A_177, %min3A_196 : vector<200x128xf32>
    %min3A_199 = arith.minimumf %max3A_177, %min3A_196 : vector<200x128xf32>
    %max3A_200 = arith.maximumf %max3A_179, %min3A_199 : vector<200x128xf32>
    %broadcast_in_dim3A_201 = vector.broadcast %add3A_192 : i32 to vector<200x128xi32>
    %select_n3A_202 = arith.select %gt3A_193, %broadcast_in_dim3A_201, %select_n3A_181 : vector<200x128xi1>, vector<200x128xi32>
    %broadcast_in_dim3A_203 = vector.broadcast %add3A_192 : i32 to vector<200x128xi32>
    %select_n3A_204 = arith.select %gt3A_193, %select_n3A_181, %broadcast_in_dim3A_203 : vector<200x128xi1>, vector<200x128xi32>
    %select_n3A_205 = arith.select %gt3A_194, %select_n3A_204, %select_n3A_184 : vector<200x128xi1>, vector<200x128xi32>
    %broadcast_in_dim3A_206 = vector.broadcast %add3A_192 : i32 to vector<200x128xi32>
    %select_n3A_207 = arith.select %gt3A_194, %select_n3A_184, %broadcast_in_dim3A_206 : vector<200x128xi1>, vector<200x128xi32>
    %select_n3A_208 = arith.select %gt3A_195, %select_n3A_207, %select_n3A_187 : vector<200x128xi1>, vector<200x128xi32>
    %slice3A_209 = vector.extract_strided_slice %dot_general3A_7 {offsets = [0, 1152], sizes = [200, 128], strides = [1, 1]} : vector<200x4096xf32> to vector<200x128xf32>
    %mul3A_210 = arith.constant 32 : i32
    %mul3A_211 = arith.muli %arg0, %mul3A_210 : i32
    %add3A_212 = arith.constant 9 : i32
    %add3A_213 = arith.addi %mul3A_211, %add3A_212 : i32
    %gt3A_214 = arith.cmpf ogt, %slice3A_209, %max3A_197 : vector<200x128xf32>
    %gt3A_215 = arith.cmpf ogt, %slice3A_209, %max3A_198 : vector<200x128xf32>
    %gt3A_216 = arith.cmpf ogt, %slice3A_209, %max3A_200 : vector<200x128xf32>
    %min3A_217 = arith.minimumf %max3A_197, %slice3A_209 : vector<200x128xf32>
    %max3A_218 = arith.maximumf %max3A_197, %slice3A_209 : vector<200x128xf32>
    %max3A_219 = arith.maximumf %max3A_198, %min3A_217 : vector<200x128xf32>
    %min3A_220 = arith.minimumf %max3A_198, %min3A_217 : vector<200x128xf32>
    %max3A_221 = arith.maximumf %max3A_200, %min3A_220 : vector<200x128xf32>
    %broadcast_in_dim3A_222 = vector.broadcast %add3A_213 : i32 to vector<200x128xi32>
    %select_n3A_223 = arith.select %gt3A_214, %broadcast_in_dim3A_222, %select_n3A_202 : vector<200x128xi1>, vector<200x128xi32>
    %broadcast_in_dim3A_224 = vector.broadcast %add3A_213 : i32 to vector<200x128xi32>
    %select_n3A_225 = arith.select %gt3A_214, %select_n3A_202, %broadcast_in_dim3A_224 : vector<200x128xi1>, vector<200x128xi32>
    %select_n3A_226 = arith.select %gt3A_215, %select_n3A_225, %select_n3A_205 : vector<200x128xi1>, vector<200x128xi32>
    %broadcast_in_dim3A_227 = vector.broadcast %add3A_213 : i32 to vector<200x128xi32>
    %select_n3A_228 = arith.select %gt3A_215, %select_n3A_205, %broadcast_in_dim3A_227 : vector<200x128xi1>, vector<200x128xi32>
    %select_n3A_229 = arith.select %gt3A_216, %select_n3A_228, %select_n3A_208 : vector<200x128xi1>, vector<200x128xi32>
    %slice3A_230 = vector.extract_strided_slice %dot_general3A_7 {offsets = [0, 1280], sizes = [200, 128], strides = [1, 1]} : vector<200x4096xf32> to vector<200x128xf32>
    %mul3A_231 = arith.constant 32 : i32
    %mul3A_232 = arith.muli %arg0, %mul3A_231 : i32
    %add3A_233 = arith.constant 10 : i32
    %add3A_234 = arith.addi %mul3A_232, %add3A_233 : i32
    %gt3A_235 = arith.cmpf ogt, %slice3A_230, %max3A_218 : vector<200x128xf32>
    %gt3A_236 = arith.cmpf ogt, %slice3A_230, %max3A_219 : vector<200x128xf32>
    %gt3A_237 = arith.cmpf ogt, %slice3A_230, %max3A_221 : vector<200x128xf32>
    %min3A_238 = arith.minimumf %max3A_218, %slice3A_230 : vector<200x128xf32>
    %max3A_239 = arith.maximumf %max3A_218, %slice3A_230 : vector<200x128xf32>
    %max3A_240 = arith.maximumf %max3A_219, %min3A_238 : vector<200x128xf32>
    %min3A_241 = arith.minimumf %max3A_219, %min3A_238 : vector<200x128xf32>
    %max3A_242 = arith.maximumf %max3A_221, %min3A_241 : vector<200x128xf32>
    %broadcast_in_dim3A_243 = vector.broadcast %add3A_234 : i32 to vector<200x128xi32>
    %select_n3A_244 = arith.select %gt3A_235, %broadcast_in_dim3A_243, %select_n3A_223 : vector<200x128xi1>, vector<200x128xi32>
    %broadcast_in_dim3A_245 = vector.broadcast %add3A_234 : i32 to vector<200x128xi32>
    %select_n3A_246 = arith.select %gt3A_235, %select_n3A_223, %broadcast_in_dim3A_245 : vector<200x128xi1>, vector<200x128xi32>
    %select_n3A_247 = arith.select %gt3A_236, %select_n3A_246, %select_n3A_226 : vector<200x128xi1>, vector<200x128xi32>
    %broadcast_in_dim3A_248 = vector.broadcast %add3A_234 : i32 to vector<200x128xi32>
    %select_n3A_249 = arith.select %gt3A_236, %select_n3A_226, %broadcast_in_dim3A_248 : vector<200x128xi1>, vector<200x128xi32>
    %select_n3A_250 = arith.select %gt3A_237, %select_n3A_249, %select_n3A_229 : vector<200x128xi1>, vector<200x128xi32>
    %slice3A_251 = vector.extract_strided_slice %dot_general3A_7 {offsets = [0, 1408], sizes = [200, 128], strides = [1, 1]} : vector<200x4096xf32> to vector<200x128xf32>
    %mul3A_252 = arith.constant 32 : i32
    %mul3A_253 = arith.muli %arg0, %mul3A_252 : i32
    %add3A_254 = arith.constant 11 : i32
    %add3A_255 = arith.addi %mul3A_253, %add3A_254 : i32
    %gt3A_256 = arith.cmpf ogt, %slice3A_251, %max3A_239 : vector<200x128xf32>
    %gt3A_257 = arith.cmpf ogt, %slice3A_251, %max3A_240 : vector<200x128xf32>
    %gt3A_258 = arith.cmpf ogt, %slice3A_251, %max3A_242 : vector<200x128xf32>
    %min3A_259 = arith.minimumf %max3A_239, %slice3A_251 : vector<200x128xf32>
    %max3A_260 = arith.maximumf %max3A_239, %slice3A_251 : vector<200x128xf32>
    %max3A_261 = arith.maximumf %max3A_240, %min3A_259 : vector<200x128xf32>
    %min3A_262 = arith.minimumf %max3A_240, %min3A_259 : vector<200x128xf32>
    %max3A_263 = arith.maximumf %max3A_242, %min3A_262 : vector<200x128xf32>
    %broadcast_in_dim3A_264 = vector.broadcast %add3A_255 : i32 to vector<200x128xi32>
    %select_n3A_265 = arith.select %gt3A_256, %broadcast_in_dim3A_264, %select_n3A_244 : vector<200x128xi1>, vector<200x128xi32>
    %broadcast_in_dim3A_266 = vector.broadcast %add3A_255 : i32 to vector<200x128xi32>
    %select_n3A_267 = arith.select %gt3A_256, %select_n3A_244, %broadcast_in_dim3A_266 : vector<200x128xi1>, vector<200x128xi32>
    %select_n3A_268 = arith.select %gt3A_257, %select_n3A_267, %select_n3A_247 : vector<200x128xi1>, vector<200x128xi32>
    %broadcast_in_dim3A_269 = vector.broadcast %add3A_255 : i32 to vector<200x128xi32>
    %select_n3A_270 = arith.select %gt3A_257, %select_n3A_247, %broadcast_in_dim3A_269 : vector<200x128xi1>, vector<200x128xi32>
    %select_n3A_271 = arith.select %gt3A_258, %select_n3A_270, %select_n3A_250 : vector<200x128xi1>, vector<200x128xi32>
    %slice3A_272 = vector.extract_strided_slice %dot_general3A_7 {offsets = [0, 1536], sizes = [200, 128], strides = [1, 1]} : vector<200x4096xf32> to vector<200x128xf32>
    %mul3A_273 = arith.constant 32 : i32
    %mul3A_274 = arith.muli %arg0, %mul3A_273 : i32
    %add3A_275 = arith.constant 12 : i32
    %add3A_276 = arith.addi %mul3A_274, %add3A_275 : i32
    %gt3A_277 = arith.cmpf ogt, %slice3A_272, %max3A_260 : vector<200x128xf32>
    %gt3A_278 = arith.cmpf ogt, %slice3A_272, %max3A_261 : vector<200x128xf32>
    %gt3A_279 = arith.cmpf ogt, %slice3A_272, %max3A_263 : vector<200x128xf32>
    %min3A_280 = arith.minimumf %max3A_260, %slice3A_272 : vector<200x128xf32>
    %max3A_281 = arith.maximumf %max3A_260, %slice3A_272 : vector<200x128xf32>
    %max3A_282 = arith.maximumf %max3A_261, %min3A_280 : vector<200x128xf32>
    %min3A_283 = arith.minimumf %max3A_261, %min3A_280 : vector<200x128xf32>
    %max3A_284 = arith.maximumf %max3A_263, %min3A_283 : vector<200x128xf32>
    %broadcast_in_dim3A_285 = vector.broadcast %add3A_276 : i32 to vector<200x128xi32>
    %select_n3A_286 = arith.select %gt3A_277, %broadcast_in_dim3A_285, %select_n3A_265 : vector<200x128xi1>, vector<200x128xi32>
    %broadcast_in_dim3A_287 = vector.broadcast %add3A_276 : i32 to vector<200x128xi32>
    %select_n3A_288 = arith.select %gt3A_277, %select_n3A_265, %broadcast_in_dim3A_287 : vector<200x128xi1>, vector<200x128xi32>
    %select_n3A_289 = arith.select %gt3A_278, %select_n3A_288, %select_n3A_268 : vector<200x128xi1>, vector<200x128xi32>
    %broadcast_in_dim3A_290 = vector.broadcast %add3A_276 : i32 to vector<200x128xi32>
    %select_n3A_291 = arith.select %gt3A_278, %select_n3A_268, %broadcast_in_dim3A_290 : vector<200x128xi1>, vector<200x128xi32>
    %select_n3A_292 = arith.select %gt3A_279, %select_n3A_291, %select_n3A_271 : vector<200x128xi1>, vector<200x128xi32>
    %slice3A_293 = vector.extract_strided_slice %dot_general3A_7 {offsets = [0, 1664], sizes = [200, 128], strides = [1, 1]} : vector<200x4096xf32> to vector<200x128xf32>
    %sub3A = arith.constant 100000 : i32
    %sub3A_294 = arith.subi %sub3A, %mul3A_8 : i32
    %sub3A_295 = arith.constant 1664 : i32
    %sub3A_296 = arith.subi %sub3A_294, %sub3A_295 : i32
    %lt3A = vector.broadcast %sub3A_296 : i32 to vector<200x128xi32>
    %lt3A_297 = arith.cmpi slt, %iota3A, %lt3A : vector<200x128xi32>
    %jit3A = arith.constant 0xFF800000 : f32
    %broadcast_in_dim3A_298 = vector.broadcast %jit3A : f32 to vector<200x128xf32>
    %select_n3A_299 = arith.select %lt3A_297, %slice3A_293, %broadcast_in_dim3A_298 : vector<200x128xi1>, vector<200x128xf32>
    %mul3A_300 = arith.constant 32 : i32
    %mul3A_301 = arith.muli %arg0, %mul3A_300 : i32
    %add3A_302 = arith.constant 13 : i32
    %add3A_303 = arith.addi %mul3A_301, %add3A_302 : i32
    %gt3A_304 = arith.cmpf ogt, %select_n3A_299, %max3A_281 : vector<200x128xf32>
    %gt3A_305 = arith.cmpf ogt, %select_n3A_299, %max3A_282 : vector<200x128xf32>
    %gt3A_306 = arith.cmpf ogt, %select_n3A_299, %max3A_284 : vector<200x128xf32>
    %min3A_307 = arith.minimumf %max3A_281, %select_n3A_299 : vector<200x128xf32>
    %max3A_308 = arith.maximumf %max3A_281, %select_n3A_299 : vector<200x128xf32>
    %max3A_309 = arith.maximumf %max3A_282, %min3A_307 : vector<200x128xf32>
    %min3A_310 = arith.minimumf %max3A_282, %min3A_307 : vector<200x128xf32>
    %max3A_311 = arith.maximumf %max3A_284, %min3A_310 : vector<200x128xf32>
    %broadcast_in_dim3A_312 = vector.broadcast %add3A_303 : i32 to vector<200x128xi32>
    %select_n3A_313 = arith.select %gt3A_304, %broadcast_in_dim3A_312, %select_n3A_286 : vector<200x128xi1>, vector<200x128xi32>
    %broadcast_in_dim3A_314 = vector.broadcast %add3A_303 : i32 to vector<200x128xi32>
    %select_n3A_315 = arith.select %gt3A_304, %select_n3A_286, %broadcast_in_dim3A_314 : vector<200x128xi1>, vector<200x128xi32>
    %select_n3A_316 = arith.select %gt3A_305, %select_n3A_315, %select_n3A_289 : vector<200x128xi1>, vector<200x128xi32>
    %broadcast_in_dim3A_317 = vector.broadcast %add3A_303 : i32 to vector<200x128xi32>
    %select_n3A_318 = arith.select %gt3A_305, %select_n3A_289, %broadcast_in_dim3A_317 : vector<200x128xi1>, vector<200x128xi32>
    %select_n3A_319 = arith.select %gt3A_306, %select_n3A_318, %select_n3A_292 : vector<200x128xi1>, vector<200x128xi32>
    %slice3A_320 = vector.extract_strided_slice %dot_general3A_7 {offsets = [0, 1792], sizes = [200, 128], strides = [1, 1]} : vector<200x4096xf32> to vector<200x128xf32>
    %sub3A_321 = arith.constant 100000 : i32
    %sub3A_322 = arith.subi %sub3A_321, %mul3A_8 : i32
    %sub3A_323 = arith.constant 1792 : i32
    %sub3A_324 = arith.subi %sub3A_322, %sub3A_323 : i32
    %lt3A_325 = vector.broadcast %sub3A_324 : i32 to vector<200x128xi32>
    %lt3A_326 = arith.cmpi slt, %iota3A, %lt3A_325 : vector<200x128xi32>
    %jit3A_327 = arith.constant 0xFF800000 : f32
    %broadcast_in_dim3A_328 = vector.broadcast %jit3A_327 : f32 to vector<200x128xf32>
    %select_n3A_329 = arith.select %lt3A_326, %slice3A_320, %broadcast_in_dim3A_328 : vector<200x128xi1>, vector<200x128xf32>
    %mul3A_330 = arith.constant 32 : i32
    %mul3A_331 = arith.muli %arg0, %mul3A_330 : i32
    %add3A_332 = arith.constant 14 : i32
    %add3A_333 = arith.addi %mul3A_331, %add3A_332 : i32
    %gt3A_334 = arith.cmpf ogt, %select_n3A_329, %max3A_308 : vector<200x128xf32>
    %gt3A_335 = arith.cmpf ogt, %select_n3A_329, %max3A_309 : vector<200x128xf32>
    %gt3A_336 = arith.cmpf ogt, %select_n3A_329, %max3A_311 : vector<200x128xf32>
    %min3A_337 = arith.minimumf %max3A_308, %select_n3A_329 : vector<200x128xf32>
    %max3A_338 = arith.maximumf %max3A_308, %select_n3A_329 : vector<200x128xf32>
    %max3A_339 = arith.maximumf %max3A_309, %min3A_337 : vector<200x128xf32>
    %min3A_340 = arith.minimumf %max3A_309, %min3A_337 : vector<200x128xf32>
    %max3A_341 = arith.maximumf %max3A_311, %min3A_340 : vector<200x128xf32>
    %broadcast_in_dim3A_342 = vector.broadcast %add3A_333 : i32 to vector<200x128xi32>
    %select_n3A_343 = arith.select %gt3A_334, %broadcast_in_dim3A_342, %select_n3A_313 : vector<200x128xi1>, vector<200x128xi32>
    %broadcast_in_dim3A_344 = vector.broadcast %add3A_333 : i32 to vector<200x128xi32>
    %select_n3A_345 = arith.select %gt3A_334, %select_n3A_313, %broadcast_in_dim3A_344 : vector<200x128xi1>, vector<200x128xi32>
    %select_n3A_346 = arith.select %gt3A_335, %select_n3A_345, %select_n3A_316 : vector<200x128xi1>, vector<200x128xi32>
    %broadcast_in_dim3A_347 = vector.broadcast %add3A_333 : i32 to vector<200x128xi32>
    %select_n3A_348 = arith.select %gt3A_335, %select_n3A_316, %broadcast_in_dim3A_347 : vector<200x128xi1>, vector<200x128xi32>
    %select_n3A_349 = arith.select %gt3A_336, %select_n3A_348, %select_n3A_319 : vector<200x128xi1>, vector<200x128xi32>
    %slice3A_350 = vector.extract_strided_slice %dot_general3A_7 {offsets = [0, 1920], sizes = [200, 128], strides = [1, 1]} : vector<200x4096xf32> to vector<200x128xf32>
    %sub3A_351 = arith.constant 100000 : i32
    %sub3A_352 = arith.subi %sub3A_351, %mul3A_8 : i32
    %sub3A_353 = arith.constant 1920 : i32
    %sub3A_354 = arith.subi %sub3A_352, %sub3A_353 : i32
    %lt3A_355 = vector.broadcast %sub3A_354 : i32 to vector<200x128xi32>
    %lt3A_356 = arith.cmpi slt, %iota3A, %lt3A_355 : vector<200x128xi32>
    %jit3A_357 = arith.constant 0xFF800000 : f32
    %broadcast_in_dim3A_358 = vector.broadcast %jit3A_357 : f32 to vector<200x128xf32>
    %select_n3A_359 = arith.select %lt3A_356, %slice3A_350, %broadcast_in_dim3A_358 : vector<200x128xi1>, vector<200x128xf32>
    %mul3A_360 = arith.constant 32 : i32
    %mul3A_361 = arith.muli %arg0, %mul3A_360 : i32
    %add3A_362 = arith.constant 15 : i32
    %add3A_363 = arith.addi %mul3A_361, %add3A_362 : i32
    %gt3A_364 = arith.cmpf ogt, %select_n3A_359, %max3A_338 : vector<200x128xf32>
    %gt3A_365 = arith.cmpf ogt, %select_n3A_359, %max3A_339 : vector<200x128xf32>
    %gt3A_366 = arith.cmpf ogt, %select_n3A_359, %max3A_341 : vector<200x128xf32>
    %min3A_367 = arith.minimumf %max3A_338, %select_n3A_359 : vector<200x128xf32>
    %max3A_368 = arith.maximumf %max3A_338, %select_n3A_359 : vector<200x128xf32>
    %max3A_369 = arith.maximumf %max3A_339, %min3A_367 : vector<200x128xf32>
    %min3A_370 = arith.minimumf %max3A_339, %min3A_367 : vector<200x128xf32>
    %max3A_371 = arith.maximumf %max3A_341, %min3A_370 : vector<200x128xf32>
    %broadcast_in_dim3A_372 = vector.broadcast %add3A_363 : i32 to vector<200x128xi32>
    %select_n3A_373 = arith.select %gt3A_364, %broadcast_in_dim3A_372, %select_n3A_343 : vector<200x128xi1>, vector<200x128xi32>
    %broadcast_in_dim3A_374 = vector.broadcast %add3A_363 : i32 to vector<200x128xi32>
    %select_n3A_375 = arith.select %gt3A_364, %select_n3A_343, %broadcast_in_dim3A_374 : vector<200x128xi1>, vector<200x128xi32>
    %select_n3A_376 = arith.select %gt3A_365, %select_n3A_375, %select_n3A_346 : vector<200x128xi1>, vector<200x128xi32>
    %broadcast_in_dim3A_377 = vector.broadcast %add3A_363 : i32 to vector<200x128xi32>
    %select_n3A_378 = arith.select %gt3A_365, %select_n3A_346, %broadcast_in_dim3A_377 : vector<200x128xi1>, vector<200x128xi32>
    %select_n3A_379 = arith.select %gt3A_366, %select_n3A_378, %select_n3A_349 : vector<200x128xi1>, vector<200x128xi32>
    %slice3A_380 = vector.extract_strided_slice %dot_general3A_7 {offsets = [0, 2048], sizes = [200, 128], strides = [1, 1]} : vector<200x4096xf32> to vector<200x128xf32>
    %sub3A_381 = arith.constant 100000 : i32
    %sub3A_382 = arith.subi %sub3A_381, %mul3A_8 : i32
    %sub3A_383 = arith.constant 2048 : i32
    %sub3A_384 = arith.subi %sub3A_382, %sub3A_383 : i32
    %lt3A_385 = vector.broadcast %sub3A_384 : i32 to vector<200x128xi32>
    %lt3A_386 = arith.cmpi slt, %iota3A, %lt3A_385 : vector<200x128xi32>
    %jit3A_387 = arith.constant 0xFF800000 : f32
    %broadcast_in_dim3A_388 = vector.broadcast %jit3A_387 : f32 to vector<200x128xf32>
    %select_n3A_389 = arith.select %lt3A_386, %slice3A_380, %broadcast_in_dim3A_388 : vector<200x128xi1>, vector<200x128xf32>
    %mul3A_390 = arith.constant 32 : i32
    %mul3A_391 = arith.muli %arg0, %mul3A_390 : i32
    %add3A_392 = arith.constant 16 : i32
    %add3A_393 = arith.addi %mul3A_391, %add3A_392 : i32
    %gt3A_394 = arith.cmpf ogt, %select_n3A_389, %max3A_368 : vector<200x128xf32>
    %gt3A_395 = arith.cmpf ogt, %select_n3A_389, %max3A_369 : vector<200x128xf32>
    %gt3A_396 = arith.cmpf ogt, %select_n3A_389, %max3A_371 : vector<200x128xf32>
    %min3A_397 = arith.minimumf %max3A_368, %select_n3A_389 : vector<200x128xf32>
    %max3A_398 = arith.maximumf %max3A_368, %select_n3A_389 : vector<200x128xf32>
    %max3A_399 = arith.maximumf %max3A_369, %min3A_397 : vector<200x128xf32>
    %min3A_400 = arith.minimumf %max3A_369, %min3A_397 : vector<200x128xf32>
    %max3A_401 = arith.maximumf %max3A_371, %min3A_400 : vector<200x128xf32>
    %broadcast_in_dim3A_402 = vector.broadcast %add3A_393 : i32 to vector<200x128xi32>
    %select_n3A_403 = arith.select %gt3A_394, %broadcast_in_dim3A_402, %select_n3A_373 : vector<200x128xi1>, vector<200x128xi32>
    %broadcast_in_dim3A_404 = vector.broadcast %add3A_393 : i32 to vector<200x128xi32>
    %select_n3A_405 = arith.select %gt3A_394, %select_n3A_373, %broadcast_in_dim3A_404 : vector<200x128xi1>, vector<200x128xi32>
    %select_n3A_406 = arith.select %gt3A_395, %select_n3A_405, %select_n3A_376 : vector<200x128xi1>, vector<200x128xi32>
    %broadcast_in_dim3A_407 = vector.broadcast %add3A_393 : i32 to vector<200x128xi32>
    %select_n3A_408 = arith.select %gt3A_395, %select_n3A_376, %broadcast_in_dim3A_407 : vector<200x128xi1>, vector<200x128xi32>
    %select_n3A_409 = arith.select %gt3A_396, %select_n3A_408, %select_n3A_379 : vector<200x128xi1>, vector<200x128xi32>
    %slice3A_410 = vector.extract_strided_slice %dot_general3A_7 {offsets = [0, 2176], sizes = [200, 128], strides = [1, 1]} : vector<200x4096xf32> to vector<200x128xf32>
    %sub3A_411 = arith.constant 100000 : i32
    %sub3A_412 = arith.subi %sub3A_411, %mul3A_8 : i32
    %sub3A_413 = arith.constant 2176 : i32
    %sub3A_414 = arith.subi %sub3A_412, %sub3A_413 : i32
    %lt3A_415 = vector.broadcast %sub3A_414 : i32 to vector<200x128xi32>
    %lt3A_416 = arith.cmpi slt, %iota3A, %lt3A_415 : vector<200x128xi32>
    %jit3A_417 = arith.constant 0xFF800000 : f32
    %broadcast_in_dim3A_418 = vector.broadcast %jit3A_417 : f32 to vector<200x128xf32>
    %select_n3A_419 = arith.select %lt3A_416, %slice3A_410, %broadcast_in_dim3A_418 : vector<200x128xi1>, vector<200x128xf32>
    %mul3A_420 = arith.constant 32 : i32
    %mul3A_421 = arith.muli %arg0, %mul3A_420 : i32
    %add3A_422 = arith.constant 17 : i32
    %add3A_423 = arith.addi %mul3A_421, %add3A_422 : i32
    %gt3A_424 = arith.cmpf ogt, %select_n3A_419, %max3A_398 : vector<200x128xf32>
    %gt3A_425 = arith.cmpf ogt, %select_n3A_419, %max3A_399 : vector<200x128xf32>
    %gt3A_426 = arith.cmpf ogt, %select_n3A_419, %max3A_401 : vector<200x128xf32>
    %min3A_427 = arith.minimumf %max3A_398, %select_n3A_419 : vector<200x128xf32>
    %max3A_428 = arith.maximumf %max3A_398, %select_n3A_419 : vector<200x128xf32>
    %max3A_429 = arith.maximumf %max3A_399, %min3A_427 : vector<200x128xf32>
    %min3A_430 = arith.minimumf %max3A_399, %min3A_427 : vector<200x128xf32>
    %max3A_431 = arith.maximumf %max3A_401, %min3A_430 : vector<200x128xf32>
    %broadcast_in_dim3A_432 = vector.broadcast %add3A_423 : i32 to vector<200x128xi32>
    %select_n3A_433 = arith.select %gt3A_424, %broadcast_in_dim3A_432, %select_n3A_403 : vector<200x128xi1>, vector<200x128xi32>
    %broadcast_in_dim3A_434 = vector.broadcast %add3A_423 : i32 to vector<200x128xi32>
    %select_n3A_435 = arith.select %gt3A_424, %select_n3A_403, %broadcast_in_dim3A_434 : vector<200x128xi1>, vector<200x128xi32>
    %select_n3A_436 = arith.select %gt3A_425, %select_n3A_435, %select_n3A_406 : vector<200x128xi1>, vector<200x128xi32>
    %broadcast_in_dim3A_437 = vector.broadcast %add3A_423 : i32 to vector<200x128xi32>
    %select_n3A_438 = arith.select %gt3A_425, %select_n3A_406, %broadcast_in_dim3A_437 : vector<200x128xi1>, vector<200x128xi32>
    %select_n3A_439 = arith.select %gt3A_426, %select_n3A_438, %select_n3A_409 : vector<200x128xi1>, vector<200x128xi32>
    %slice3A_440 = vector.extract_strided_slice %dot_general3A_7 {offsets = [0, 2304], sizes = [200, 128], strides = [1, 1]} : vector<200x4096xf32> to vector<200x128xf32>
    %sub3A_441 = arith.constant 100000 : i32
    %sub3A_442 = arith.subi %sub3A_441, %mul3A_8 : i32
    %sub3A_443 = arith.constant 2304 : i32
    %sub3A_444 = arith.subi %sub3A_442, %sub3A_443 : i32
    %lt3A_445 = vector.broadcast %sub3A_444 : i32 to vector<200x128xi32>
    %lt3A_446 = arith.cmpi slt, %iota3A, %lt3A_445 : vector<200x128xi32>
    %jit3A_447 = arith.constant 0xFF800000 : f32
    %broadcast_in_dim3A_448 = vector.broadcast %jit3A_447 : f32 to vector<200x128xf32>
    %select_n3A_449 = arith.select %lt3A_446, %slice3A_440, %broadcast_in_dim3A_448 : vector<200x128xi1>, vector<200x128xf32>
    %mul3A_450 = arith.constant 32 : i32
    %mul3A_451 = arith.muli %arg0, %mul3A_450 : i32
    %add3A_452 = arith.constant 18 : i32
    %add3A_453 = arith.addi %mul3A_451, %add3A_452 : i32
    %gt3A_454 = arith.cmpf ogt, %select_n3A_449, %max3A_428 : vector<200x128xf32>
    %gt3A_455 = arith.cmpf ogt, %select_n3A_449, %max3A_429 : vector<200x128xf32>
    %gt3A_456 = arith.cmpf ogt, %select_n3A_449, %max3A_431 : vector<200x128xf32>
    %min3A_457 = arith.minimumf %max3A_428, %select_n3A_449 : vector<200x128xf32>
    %max3A_458 = arith.maximumf %max3A_428, %select_n3A_449 : vector<200x128xf32>
    %max3A_459 = arith.maximumf %max3A_429, %min3A_457 : vector<200x128xf32>
    %min3A_460 = arith.minimumf %max3A_429, %min3A_457 : vector<200x128xf32>
    %max3A_461 = arith.maximumf %max3A_431, %min3A_460 : vector<200x128xf32>
    %broadcast_in_dim3A_462 = vector.broadcast %add3A_453 : i32 to vector<200x128xi32>
    %select_n3A_463 = arith.select %gt3A_454, %broadcast_in_dim3A_462, %select_n3A_433 : vector<200x128xi1>, vector<200x128xi32>
    %broadcast_in_dim3A_464 = vector.broadcast %add3A_453 : i32 to vector<200x128xi32>
    %select_n3A_465 = arith.select %gt3A_454, %select_n3A_433, %broadcast_in_dim3A_464 : vector<200x128xi1>, vector<200x128xi32>
    %select_n3A_466 = arith.select %gt3A_455, %select_n3A_465, %select_n3A_436 : vector<200x128xi1>, vector<200x128xi32>
    %broadcast_in_dim3A_467 = vector.broadcast %add3A_453 : i32 to vector<200x128xi32>
    %select_n3A_468 = arith.select %gt3A_455, %select_n3A_436, %broadcast_in_dim3A_467 : vector<200x128xi1>, vector<200x128xi32>
    %select_n3A_469 = arith.select %gt3A_456, %select_n3A_468, %select_n3A_439 : vector<200x128xi1>, vector<200x128xi32>
    %slice3A_470 = vector.extract_strided_slice %dot_general3A_7 {offsets = [0, 2432], sizes = [200, 128], strides = [1, 1]} : vector<200x4096xf32> to vector<200x128xf32>
    %sub3A_471 = arith.constant 100000 : i32
    %sub3A_472 = arith.subi %sub3A_471, %mul3A_8 : i32
    %sub3A_473 = arith.constant 2432 : i32
    %sub3A_474 = arith.subi %sub3A_472, %sub3A_473 : i32
    %lt3A_475 = vector.broadcast %sub3A_474 : i32 to vector<200x128xi32>
    %lt3A_476 = arith.cmpi slt, %iota3A, %lt3A_475 : vector<200x128xi32>
    %jit3A_477 = arith.constant 0xFF800000 : f32
    %broadcast_in_dim3A_478 = vector.broadcast %jit3A_477 : f32 to vector<200x128xf32>
    %select_n3A_479 = arith.select %lt3A_476, %slice3A_470, %broadcast_in_dim3A_478 : vector<200x128xi1>, vector<200x128xf32>
    %mul3A_480 = arith.constant 32 : i32
    %mul3A_481 = arith.muli %arg0, %mul3A_480 : i32
    %add3A_482 = arith.constant 19 : i32
    %add3A_483 = arith.addi %mul3A_481, %add3A_482 : i32
    %gt3A_484 = arith.cmpf ogt, %select_n3A_479, %max3A_458 : vector<200x128xf32>
    %gt3A_485 = arith.cmpf ogt, %select_n3A_479, %max3A_459 : vector<200x128xf32>
    %gt3A_486 = arith.cmpf ogt, %select_n3A_479, %max3A_461 : vector<200x128xf32>
    %min3A_487 = arith.minimumf %max3A_458, %select_n3A_479 : vector<200x128xf32>
    %max3A_488 = arith.maximumf %max3A_458, %select_n3A_479 : vector<200x128xf32>
    %max3A_489 = arith.maximumf %max3A_459, %min3A_487 : vector<200x128xf32>
    %min3A_490 = arith.minimumf %max3A_459, %min3A_487 : vector<200x128xf32>
    %max3A_491 = arith.maximumf %max3A_461, %min3A_490 : vector<200x128xf32>
    %broadcast_in_dim3A_492 = vector.broadcast %add3A_483 : i32 to vector<200x128xi32>
    %select_n3A_493 = arith.select %gt3A_484, %broadcast_in_dim3A_492, %select_n3A_463 : vector<200x128xi1>, vector<200x128xi32>
    %broadcast_in_dim3A_494 = vector.broadcast %add3A_483 : i32 to vector<200x128xi32>
    %select_n3A_495 = arith.select %gt3A_484, %select_n3A_463, %broadcast_in_dim3A_494 : vector<200x128xi1>, vector<200x128xi32>
    %select_n3A_496 = arith.select %gt3A_485, %select_n3A_495, %select_n3A_466 : vector<200x128xi1>, vector<200x128xi32>
    %broadcast_in_dim3A_497 = vector.broadcast %add3A_483 : i32 to vector<200x128xi32>
    %select_n3A_498 = arith.select %gt3A_485, %select_n3A_466, %broadcast_in_dim3A_497 : vector<200x128xi1>, vector<200x128xi32>
    %select_n3A_499 = arith.select %gt3A_486, %select_n3A_498, %select_n3A_469 : vector<200x128xi1>, vector<200x128xi32>
    %slice3A_500 = vector.extract_strided_slice %dot_general3A_7 {offsets = [0, 2560], sizes = [200, 128], strides = [1, 1]} : vector<200x4096xf32> to vector<200x128xf32>
    %sub3A_501 = arith.constant 100000 : i32
    %sub3A_502 = arith.subi %sub3A_501, %mul3A_8 : i32
    %sub3A_503 = arith.constant 2560 : i32
    %sub3A_504 = arith.subi %sub3A_502, %sub3A_503 : i32
    %lt3A_505 = vector.broadcast %sub3A_504 : i32 to vector<200x128xi32>
    %lt3A_506 = arith.cmpi slt, %iota3A, %lt3A_505 : vector<200x128xi32>
    %jit3A_507 = arith.constant 0xFF800000 : f32
    %broadcast_in_dim3A_508 = vector.broadcast %jit3A_507 : f32 to vector<200x128xf32>
    %select_n3A_509 = arith.select %lt3A_506, %slice3A_500, %broadcast_in_dim3A_508 : vector<200x128xi1>, vector<200x128xf32>
    %mul3A_510 = arith.constant 32 : i32
    %mul3A_511 = arith.muli %arg0, %mul3A_510 : i32
    %add3A_512 = arith.constant 20 : i32
    %add3A_513 = arith.addi %mul3A_511, %add3A_512 : i32
    %gt3A_514 = arith.cmpf ogt, %select_n3A_509, %max3A_488 : vector<200x128xf32>
    %gt3A_515 = arith.cmpf ogt, %select_n3A_509, %max3A_489 : vector<200x128xf32>
    %gt3A_516 = arith.cmpf ogt, %select_n3A_509, %max3A_491 : vector<200x128xf32>
    %min3A_517 = arith.minimumf %max3A_488, %select_n3A_509 : vector<200x128xf32>
    %max3A_518 = arith.maximumf %max3A_488, %select_n3A_509 : vector<200x128xf32>
    %max3A_519 = arith.maximumf %max3A_489, %min3A_517 : vector<200x128xf32>
    %min3A_520 = arith.minimumf %max3A_489, %min3A_517 : vector<200x128xf32>
    %max3A_521 = arith.maximumf %max3A_491, %min3A_520 : vector<200x128xf32>
    %broadcast_in_dim3A_522 = vector.broadcast %add3A_513 : i32 to vector<200x128xi32>
    %select_n3A_523 = arith.select %gt3A_514, %broadcast_in_dim3A_522, %select_n3A_493 : vector<200x128xi1>, vector<200x128xi32>
    %broadcast_in_dim3A_524 = vector.broadcast %add3A_513 : i32 to vector<200x128xi32>
    %select_n3A_525 = arith.select %gt3A_514, %select_n3A_493, %broadcast_in_dim3A_524 : vector<200x128xi1>, vector<200x128xi32>
    %select_n3A_526 = arith.select %gt3A_515, %select_n3A_525, %select_n3A_496 : vector<200x128xi1>, vector<200x128xi32>
    %broadcast_in_dim3A_527 = vector.broadcast %add3A_513 : i32 to vector<200x128xi32>
    %select_n3A_528 = arith.select %gt3A_515, %select_n3A_496, %broadcast_in_dim3A_527 : vector<200x128xi1>, vector<200x128xi32>
    %select_n3A_529 = arith.select %gt3A_516, %select_n3A_528, %select_n3A_499 : vector<200x128xi1>, vector<200x128xi32>
    %slice3A_530 = vector.extract_strided_slice %dot_general3A_7 {offsets = [0, 2688], sizes = [200, 128], strides = [1, 1]} : vector<200x4096xf32> to vector<200x128xf32>
    %sub3A_531 = arith.constant 100000 : i32
    %sub3A_532 = arith.subi %sub3A_531, %mul3A_8 : i32
    %sub3A_533 = arith.constant 2688 : i32
    %sub3A_534 = arith.subi %sub3A_532, %sub3A_533 : i32
    %lt3A_535 = vector.broadcast %sub3A_534 : i32 to vector<200x128xi32>
    %lt3A_536 = arith.cmpi slt, %iota3A, %lt3A_535 : vector<200x128xi32>
    %jit3A_537 = arith.constant 0xFF800000 : f32
    %broadcast_in_dim3A_538 = vector.broadcast %jit3A_537 : f32 to vector<200x128xf32>
    %select_n3A_539 = arith.select %lt3A_536, %slice3A_530, %broadcast_in_dim3A_538 : vector<200x128xi1>, vector<200x128xf32>
    %mul3A_540 = arith.constant 32 : i32
    %mul3A_541 = arith.muli %arg0, %mul3A_540 : i32
    %add3A_542 = arith.constant 21 : i32
    %add3A_543 = arith.addi %mul3A_541, %add3A_542 : i32
    %gt3A_544 = arith.cmpf ogt, %select_n3A_539, %max3A_518 : vector<200x128xf32>
    %gt3A_545 = arith.cmpf ogt, %select_n3A_539, %max3A_519 : vector<200x128xf32>
    %gt3A_546 = arith.cmpf ogt, %select_n3A_539, %max3A_521 : vector<200x128xf32>
    %min3A_547 = arith.minimumf %max3A_518, %select_n3A_539 : vector<200x128xf32>
    %max3A_548 = arith.maximumf %max3A_518, %select_n3A_539 : vector<200x128xf32>
    %max3A_549 = arith.maximumf %max3A_519, %min3A_547 : vector<200x128xf32>
    %min3A_550 = arith.minimumf %max3A_519, %min3A_547 : vector<200x128xf32>
    %max3A_551 = arith.maximumf %max3A_521, %min3A_550 : vector<200x128xf32>
    %broadcast_in_dim3A_552 = vector.broadcast %add3A_543 : i32 to vector<200x128xi32>
    %select_n3A_553 = arith.select %gt3A_544, %broadcast_in_dim3A_552, %select_n3A_523 : vector<200x128xi1>, vector<200x128xi32>
    %broadcast_in_dim3A_554 = vector.broadcast %add3A_543 : i32 to vector<200x128xi32>
    %select_n3A_555 = arith.select %gt3A_544, %select_n3A_523, %broadcast_in_dim3A_554 : vector<200x128xi1>, vector<200x128xi32>
    %select_n3A_556 = arith.select %gt3A_545, %select_n3A_555, %select_n3A_526 : vector<200x128xi1>, vector<200x128xi32>
    %broadcast_in_dim3A_557 = vector.broadcast %add3A_543 : i32 to vector<200x128xi32>
    %select_n3A_558 = arith.select %gt3A_545, %select_n3A_526, %broadcast_in_dim3A_557 : vector<200x128xi1>, vector<200x128xi32>
    %select_n3A_559 = arith.select %gt3A_546, %select_n3A_558, %select_n3A_529 : vector<200x128xi1>, vector<200x128xi32>
    %slice3A_560 = vector.extract_strided_slice %dot_general3A_7 {offsets = [0, 2816], sizes = [200, 128], strides = [1, 1]} : vector<200x4096xf32> to vector<200x128xf32>
    %sub3A_561 = arith.constant 100000 : i32
    %sub3A_562 = arith.subi %sub3A_561, %mul3A_8 : i32
    %sub3A_563 = arith.constant 2816 : i32
    %sub3A_564 = arith.subi %sub3A_562, %sub3A_563 : i32
    %lt3A_565 = vector.broadcast %sub3A_564 : i32 to vector<200x128xi32>
    %lt3A_566 = arith.cmpi slt, %iota3A, %lt3A_565 : vector<200x128xi32>
    %jit3A_567 = arith.constant 0xFF800000 : f32
    %broadcast_in_dim3A_568 = vector.broadcast %jit3A_567 : f32 to vector<200x128xf32>
    %select_n3A_569 = arith.select %lt3A_566, %slice3A_560, %broadcast_in_dim3A_568 : vector<200x128xi1>, vector<200x128xf32>
    %mul3A_570 = arith.constant 32 : i32
    %mul3A_571 = arith.muli %arg0, %mul3A_570 : i32
    %add3A_572 = arith.constant 22 : i32
    %add3A_573 = arith.addi %mul3A_571, %add3A_572 : i32
    %gt3A_574 = arith.cmpf ogt, %select_n3A_569, %max3A_548 : vector<200x128xf32>
    %gt3A_575 = arith.cmpf ogt, %select_n3A_569, %max3A_549 : vector<200x128xf32>
    %gt3A_576 = arith.cmpf ogt, %select_n3A_569, %max3A_551 : vector<200x128xf32>
    %min3A_577 = arith.minimumf %max3A_548, %select_n3A_569 : vector<200x128xf32>
    %max3A_578 = arith.maximumf %max3A_548, %select_n3A_569 : vector<200x128xf32>
    %max3A_579 = arith.maximumf %max3A_549, %min3A_577 : vector<200x128xf32>
    %min3A_580 = arith.minimumf %max3A_549, %min3A_577 : vector<200x128xf32>
    %max3A_581 = arith.maximumf %max3A_551, %min3A_580 : vector<200x128xf32>
    %broadcast_in_dim3A_582 = vector.broadcast %add3A_573 : i32 to vector<200x128xi32>
    %select_n3A_583 = arith.select %gt3A_574, %broadcast_in_dim3A_582, %select_n3A_553 : vector<200x128xi1>, vector<200x128xi32>
    %broadcast_in_dim3A_584 = vector.broadcast %add3A_573 : i32 to vector<200x128xi32>
    %select_n3A_585 = arith.select %gt3A_574, %select_n3A_553, %broadcast_in_dim3A_584 : vector<200x128xi1>, vector<200x128xi32>
    %select_n3A_586 = arith.select %gt3A_575, %select_n3A_585, %select_n3A_556 : vector<200x128xi1>, vector<200x128xi32>
    %broadcast_in_dim3A_587 = vector.broadcast %add3A_573 : i32 to vector<200x128xi32>
    %select_n3A_588 = arith.select %gt3A_575, %select_n3A_556, %broadcast_in_dim3A_587 : vector<200x128xi1>, vector<200x128xi32>
    %select_n3A_589 = arith.select %gt3A_576, %select_n3A_588, %select_n3A_559 : vector<200x128xi1>, vector<200x128xi32>
    %slice3A_590 = vector.extract_strided_slice %dot_general3A_7 {offsets = [0, 2944], sizes = [200, 128], strides = [1, 1]} : vector<200x4096xf32> to vector<200x128xf32>
    %sub3A_591 = arith.constant 100000 : i32
    %sub3A_592 = arith.subi %sub3A_591, %mul3A_8 : i32
    %sub3A_593 = arith.constant 2944 : i32
    %sub3A_594 = arith.subi %sub3A_592, %sub3A_593 : i32
    %lt3A_595 = vector.broadcast %sub3A_594 : i32 to vector<200x128xi32>
    %lt3A_596 = arith.cmpi slt, %iota3A, %lt3A_595 : vector<200x128xi32>
    %jit3A_597 = arith.constant 0xFF800000 : f32
    %broadcast_in_dim3A_598 = vector.broadcast %jit3A_597 : f32 to vector<200x128xf32>
    %select_n3A_599 = arith.select %lt3A_596, %slice3A_590, %broadcast_in_dim3A_598 : vector<200x128xi1>, vector<200x128xf32>
    %mul3A_600 = arith.constant 32 : i32
    %mul3A_601 = arith.muli %arg0, %mul3A_600 : i32
    %add3A_602 = arith.constant 23 : i32
    %add3A_603 = arith.addi %mul3A_601, %add3A_602 : i32
    %gt3A_604 = arith.cmpf ogt, %select_n3A_599, %max3A_578 : vector<200x128xf32>
    %gt3A_605 = arith.cmpf ogt, %select_n3A_599, %max3A_579 : vector<200x128xf32>
    %gt3A_606 = arith.cmpf ogt, %select_n3A_599, %max3A_581 : vector<200x128xf32>
    %min3A_607 = arith.minimumf %max3A_578, %select_n3A_599 : vector<200x128xf32>
    %max3A_608 = arith.maximumf %max3A_578, %select_n3A_599 : vector<200x128xf32>
    %max3A_609 = arith.maximumf %max3A_579, %min3A_607 : vector<200x128xf32>
    %min3A_610 = arith.minimumf %max3A_579, %min3A_607 : vector<200x128xf32>
    %max3A_611 = arith.maximumf %max3A_581, %min3A_610 : vector<200x128xf32>
    %broadcast_in_dim3A_612 = vector.broadcast %add3A_603 : i32 to vector<200x128xi32>
    %select_n3A_613 = arith.select %gt3A_604, %broadcast_in_dim3A_612, %select_n3A_583 : vector<200x128xi1>, vector<200x128xi32>
    %broadcast_in_dim3A_614 = vector.broadcast %add3A_603 : i32 to vector<200x128xi32>
    %select_n3A_615 = arith.select %gt3A_604, %select_n3A_583, %broadcast_in_dim3A_614 : vector<200x128xi1>, vector<200x128xi32>
    %select_n3A_616 = arith.select %gt3A_605, %select_n3A_615, %select_n3A_586 : vector<200x128xi1>, vector<200x128xi32>
    %broadcast_in_dim3A_617 = vector.broadcast %add3A_603 : i32 to vector<200x128xi32>
    %select_n3A_618 = arith.select %gt3A_605, %select_n3A_586, %broadcast_in_dim3A_617 : vector<200x128xi1>, vector<200x128xi32>
    %select_n3A_619 = arith.select %gt3A_606, %select_n3A_618, %select_n3A_589 : vector<200x128xi1>, vector<200x128xi32>
    %slice3A_620 = vector.extract_strided_slice %dot_general3A_7 {offsets = [0, 3072], sizes = [200, 128], strides = [1, 1]} : vector<200x4096xf32> to vector<200x128xf32>
    %sub3A_621 = arith.constant 100000 : i32
    %sub3A_622 = arith.subi %sub3A_621, %mul3A_8 : i32
    %sub3A_623 = arith.constant 3072 : i32
    %sub3A_624 = arith.subi %sub3A_622, %sub3A_623 : i32
    %lt3A_625 = vector.broadcast %sub3A_624 : i32 to vector<200x128xi32>
    %lt3A_626 = arith.cmpi slt, %iota3A, %lt3A_625 : vector<200x128xi32>
    %jit3A_627 = arith.constant 0xFF800000 : f32
    %broadcast_in_dim3A_628 = vector.broadcast %jit3A_627 : f32 to vector<200x128xf32>
    %select_n3A_629 = arith.select %lt3A_626, %slice3A_620, %broadcast_in_dim3A_628 : vector<200x128xi1>, vector<200x128xf32>
    %mul3A_630 = arith.constant 32 : i32
    %mul3A_631 = arith.muli %arg0, %mul3A_630 : i32
    %add3A_632 = arith.constant 24 : i32
    %add3A_633 = arith.addi %mul3A_631, %add3A_632 : i32
    %gt3A_634 = arith.cmpf ogt, %select_n3A_629, %max3A_608 : vector<200x128xf32>
    %gt3A_635 = arith.cmpf ogt, %select_n3A_629, %max3A_609 : vector<200x128xf32>
    %gt3A_636 = arith.cmpf ogt, %select_n3A_629, %max3A_611 : vector<200x128xf32>
    %min3A_637 = arith.minimumf %max3A_608, %select_n3A_629 : vector<200x128xf32>
    %max3A_638 = arith.maximumf %max3A_608, %select_n3A_629 : vector<200x128xf32>
    %max3A_639 = arith.maximumf %max3A_609, %min3A_637 : vector<200x128xf32>
    %min3A_640 = arith.minimumf %max3A_609, %min3A_637 : vector<200x128xf32>
    %max3A_641 = arith.maximumf %max3A_611, %min3A_640 : vector<200x128xf32>
    %broadcast_in_dim3A_642 = vector.broadcast %add3A_633 : i32 to vector<200x128xi32>
    %select_n3A_643 = arith.select %gt3A_634, %broadcast_in_dim3A_642, %select_n3A_613 : vector<200x128xi1>, vector<200x128xi32>
    %broadcast_in_dim3A_644 = vector.broadcast %add3A_633 : i32 to vector<200x128xi32>
    %select_n3A_645 = arith.select %gt3A_634, %select_n3A_613, %broadcast_in_dim3A_644 : vector<200x128xi1>, vector<200x128xi32>
    %select_n3A_646 = arith.select %gt3A_635, %select_n3A_645, %select_n3A_616 : vector<200x128xi1>, vector<200x128xi32>
    %broadcast_in_dim3A_647 = vector.broadcast %add3A_633 : i32 to vector<200x128xi32>
    %select_n3A_648 = arith.select %gt3A_635, %select_n3A_616, %broadcast_in_dim3A_647 : vector<200x128xi1>, vector<200x128xi32>
    %select_n3A_649 = arith.select %gt3A_636, %select_n3A_648, %select_n3A_619 : vector<200x128xi1>, vector<200x128xi32>
    %slice3A_650 = vector.extract_strided_slice %dot_general3A_7 {offsets = [0, 3200], sizes = [200, 128], strides = [1, 1]} : vector<200x4096xf32> to vector<200x128xf32>
    %sub3A_651 = arith.constant 100000 : i32
    %sub3A_652 = arith.subi %sub3A_651, %mul3A_8 : i32
    %sub3A_653 = arith.constant 3200 : i32
    %sub3A_654 = arith.subi %sub3A_652, %sub3A_653 : i32
    %lt3A_655 = vector.broadcast %sub3A_654 : i32 to vector<200x128xi32>
    %lt3A_656 = arith.cmpi slt, %iota3A, %lt3A_655 : vector<200x128xi32>
    %jit3A_657 = arith.constant 0xFF800000 : f32
    %broadcast_in_dim3A_658 = vector.broadcast %jit3A_657 : f32 to vector<200x128xf32>
    %select_n3A_659 = arith.select %lt3A_656, %slice3A_650, %broadcast_in_dim3A_658 : vector<200x128xi1>, vector<200x128xf32>
    %mul3A_660 = arith.constant 32 : i32
    %mul3A_661 = arith.muli %arg0, %mul3A_660 : i32
    %add3A_662 = arith.constant 25 : i32
    %add3A_663 = arith.addi %mul3A_661, %add3A_662 : i32
    %gt3A_664 = arith.cmpf ogt, %select_n3A_659, %max3A_638 : vector<200x128xf32>
    %gt3A_665 = arith.cmpf ogt, %select_n3A_659, %max3A_639 : vector<200x128xf32>
    %gt3A_666 = arith.cmpf ogt, %select_n3A_659, %max3A_641 : vector<200x128xf32>
    %min3A_667 = arith.minimumf %max3A_638, %select_n3A_659 : vector<200x128xf32>
    %max3A_668 = arith.maximumf %max3A_638, %select_n3A_659 : vector<200x128xf32>
    %max3A_669 = arith.maximumf %max3A_639, %min3A_667 : vector<200x128xf32>
    %min3A_670 = arith.minimumf %max3A_639, %min3A_667 : vector<200x128xf32>
    %max3A_671 = arith.maximumf %max3A_641, %min3A_670 : vector<200x128xf32>
    %broadcast_in_dim3A_672 = vector.broadcast %add3A_663 : i32 to vector<200x128xi32>
    %select_n3A_673 = arith.select %gt3A_664, %broadcast_in_dim3A_672, %select_n3A_643 : vector<200x128xi1>, vector<200x128xi32>
    %broadcast_in_dim3A_674 = vector.broadcast %add3A_663 : i32 to vector<200x128xi32>
    %select_n3A_675 = arith.select %gt3A_664, %select_n3A_643, %broadcast_in_dim3A_674 : vector<200x128xi1>, vector<200x128xi32>
    %select_n3A_676 = arith.select %gt3A_665, %select_n3A_675, %select_n3A_646 : vector<200x128xi1>, vector<200x128xi32>
    %broadcast_in_dim3A_677 = vector.broadcast %add3A_663 : i32 to vector<200x128xi32>
    %select_n3A_678 = arith.select %gt3A_665, %select_n3A_646, %broadcast_in_dim3A_677 : vector<200x128xi1>, vector<200x128xi32>
    %select_n3A_679 = arith.select %gt3A_666, %select_n3A_678, %select_n3A_649 : vector<200x128xi1>, vector<200x128xi32>
    %slice3A_680 = vector.extract_strided_slice %dot_general3A_7 {offsets = [0, 3328], sizes = [200, 128], strides = [1, 1]} : vector<200x4096xf32> to vector<200x128xf32>
    %sub3A_681 = arith.constant 100000 : i32
    %sub3A_682 = arith.subi %sub3A_681, %mul3A_8 : i32
    %sub3A_683 = arith.constant 3328 : i32
    %sub3A_684 = arith.subi %sub3A_682, %sub3A_683 : i32
    %lt3A_685 = vector.broadcast %sub3A_684 : i32 to vector<200x128xi32>
    %lt3A_686 = arith.cmpi slt, %iota3A, %lt3A_685 : vector<200x128xi32>
    %jit3A_687 = arith.constant 0xFF800000 : f32
    %broadcast_in_dim3A_688 = vector.broadcast %jit3A_687 : f32 to vector<200x128xf32>
    %select_n3A_689 = arith.select %lt3A_686, %slice3A_680, %broadcast_in_dim3A_688 : vector<200x128xi1>, vector<200x128xf32>
    %mul3A_690 = arith.constant 32 : i32
    %mul3A_691 = arith.muli %arg0, %mul3A_690 : i32
    %add3A_692 = arith.constant 26 : i32
    %add3A_693 = arith.addi %mul3A_691, %add3A_692 : i32
    %gt3A_694 = arith.cmpf ogt, %select_n3A_689, %max3A_668 : vector<200x128xf32>
    %gt3A_695 = arith.cmpf ogt, %select_n3A_689, %max3A_669 : vector<200x128xf32>
    %gt3A_696 = arith.cmpf ogt, %select_n3A_689, %max3A_671 : vector<200x128xf32>
    %min3A_697 = arith.minimumf %max3A_668, %select_n3A_689 : vector<200x128xf32>
    %max3A_698 = arith.maximumf %max3A_668, %select_n3A_689 : vector<200x128xf32>
    %max3A_699 = arith.maximumf %max3A_669, %min3A_697 : vector<200x128xf32>
    %min3A_700 = arith.minimumf %max3A_669, %min3A_697 : vector<200x128xf32>
    %max3A_701 = arith.maximumf %max3A_671, %min3A_700 : vector<200x128xf32>
    %broadcast_in_dim3A_702 = vector.broadcast %add3A_693 : i32 to vector<200x128xi32>
    %select_n3A_703 = arith.select %gt3A_694, %broadcast_in_dim3A_702, %select_n3A_673 : vector<200x128xi1>, vector<200x128xi32>
    %broadcast_in_dim3A_704 = vector.broadcast %add3A_693 : i32 to vector<200x128xi32>
    %select_n3A_705 = arith.select %gt3A_694, %select_n3A_673, %broadcast_in_dim3A_704 : vector<200x128xi1>, vector<200x128xi32>
    %select_n3A_706 = arith.select %gt3A_695, %select_n3A_705, %select_n3A_676 : vector<200x128xi1>, vector<200x128xi32>
    %broadcast_in_dim3A_707 = vector.broadcast %add3A_693 : i32 to vector<200x128xi32>
    %select_n3A_708 = arith.select %gt3A_695, %select_n3A_676, %broadcast_in_dim3A_707 : vector<200x128xi1>, vector<200x128xi32>
    %select_n3A_709 = arith.select %gt3A_696, %select_n3A_708, %select_n3A_679 : vector<200x128xi1>, vector<200x128xi32>
    %slice3A_710 = vector.extract_strided_slice %dot_general3A_7 {offsets = [0, 3456], sizes = [200, 128], strides = [1, 1]} : vector<200x4096xf32> to vector<200x128xf32>
    %sub3A_711 = arith.constant 100000 : i32
    %sub3A_712 = arith.subi %sub3A_711, %mul3A_8 : i32
    %sub3A_713 = arith.constant 3456 : i32
    %sub3A_714 = arith.subi %sub3A_712, %sub3A_713 : i32
    %lt3A_715 = vector.broadcast %sub3A_714 : i32 to vector<200x128xi32>
    %lt3A_716 = arith.cmpi slt, %iota3A, %lt3A_715 : vector<200x128xi32>
    %jit3A_717 = arith.constant 0xFF800000 : f32
    %broadcast_in_dim3A_718 = vector.broadcast %jit3A_717 : f32 to vector<200x128xf32>
    %select_n3A_719 = arith.select %lt3A_716, %slice3A_710, %broadcast_in_dim3A_718 : vector<200x128xi1>, vector<200x128xf32>
    %mul3A_720 = arith.constant 32 : i32
    %mul3A_721 = arith.muli %arg0, %mul3A_720 : i32
    %add3A_722 = arith.constant 27 : i32
    %add3A_723 = arith.addi %mul3A_721, %add3A_722 : i32
    %gt3A_724 = arith.cmpf ogt, %select_n3A_719, %max3A_698 : vector<200x128xf32>
    %gt3A_725 = arith.cmpf ogt, %select_n3A_719, %max3A_699 : vector<200x128xf32>
    %gt3A_726 = arith.cmpf ogt, %select_n3A_719, %max3A_701 : vector<200x128xf32>
    %min3A_727 = arith.minimumf %max3A_698, %select_n3A_719 : vector<200x128xf32>
    %max3A_728 = arith.maximumf %max3A_698, %select_n3A_719 : vector<200x128xf32>
    %max3A_729 = arith.maximumf %max3A_699, %min3A_727 : vector<200x128xf32>
    %min3A_730 = arith.minimumf %max3A_699, %min3A_727 : vector<200x128xf32>
    %max3A_731 = arith.maximumf %max3A_701, %min3A_730 : vector<200x128xf32>
    %broadcast_in_dim3A_732 = vector.broadcast %add3A_723 : i32 to vector<200x128xi32>
    %select_n3A_733 = arith.select %gt3A_724, %broadcast_in_dim3A_732, %select_n3A_703 : vector<200x128xi1>, vector<200x128xi32>
    %broadcast_in_dim3A_734 = vector.broadcast %add3A_723 : i32 to vector<200x128xi32>
    %select_n3A_735 = arith.select %gt3A_724, %select_n3A_703, %broadcast_in_dim3A_734 : vector<200x128xi1>, vector<200x128xi32>
    %select_n3A_736 = arith.select %gt3A_725, %select_n3A_735, %select_n3A_706 : vector<200x128xi1>, vector<200x128xi32>
    %broadcast_in_dim3A_737 = vector.broadcast %add3A_723 : i32 to vector<200x128xi32>
    %select_n3A_738 = arith.select %gt3A_725, %select_n3A_706, %broadcast_in_dim3A_737 : vector<200x128xi1>, vector<200x128xi32>
    %select_n3A_739 = arith.select %gt3A_726, %select_n3A_738, %select_n3A_709 : vector<200x128xi1>, vector<200x128xi32>
    %slice3A_740 = vector.extract_strided_slice %dot_general3A_7 {offsets = [0, 3584], sizes = [200, 128], strides = [1, 1]} : vector<200x4096xf32> to vector<200x128xf32>
    %sub3A_741 = arith.constant 100000 : i32
    %sub3A_742 = arith.subi %sub3A_741, %mul3A_8 : i32
    %sub3A_743 = arith.constant 3584 : i32
    %sub3A_744 = arith.subi %sub3A_742, %sub3A_743 : i32
    %lt3A_745 = vector.broadcast %sub3A_744 : i32 to vector<200x128xi32>
    %lt3A_746 = arith.cmpi slt, %iota3A, %lt3A_745 : vector<200x128xi32>
    %jit3A_747 = arith.constant 0xFF800000 : f32
    %broadcast_in_dim3A_748 = vector.broadcast %jit3A_747 : f32 to vector<200x128xf32>
    %select_n3A_749 = arith.select %lt3A_746, %slice3A_740, %broadcast_in_dim3A_748 : vector<200x128xi1>, vector<200x128xf32>
    %mul3A_750 = arith.constant 32 : i32
    %mul3A_751 = arith.muli %arg0, %mul3A_750 : i32
    %add3A_752 = arith.constant 28 : i32
    %add3A_753 = arith.addi %mul3A_751, %add3A_752 : i32
    %gt3A_754 = arith.cmpf ogt, %select_n3A_749, %max3A_728 : vector<200x128xf32>
    %gt3A_755 = arith.cmpf ogt, %select_n3A_749, %max3A_729 : vector<200x128xf32>
    %gt3A_756 = arith.cmpf ogt, %select_n3A_749, %max3A_731 : vector<200x128xf32>
    %min3A_757 = arith.minimumf %max3A_728, %select_n3A_749 : vector<200x128xf32>
    %max3A_758 = arith.maximumf %max3A_728, %select_n3A_749 : vector<200x128xf32>
    %max3A_759 = arith.maximumf %max3A_729, %min3A_757 : vector<200x128xf32>
    %min3A_760 = arith.minimumf %max3A_729, %min3A_757 : vector<200x128xf32>
    %max3A_761 = arith.maximumf %max3A_731, %min3A_760 : vector<200x128xf32>
    %broadcast_in_dim3A_762 = vector.broadcast %add3A_753 : i32 to vector<200x128xi32>
    %select_n3A_763 = arith.select %gt3A_754, %broadcast_in_dim3A_762, %select_n3A_733 : vector<200x128xi1>, vector<200x128xi32>
    %broadcast_in_dim3A_764 = vector.broadcast %add3A_753 : i32 to vector<200x128xi32>
    %select_n3A_765 = arith.select %gt3A_754, %select_n3A_733, %broadcast_in_dim3A_764 : vector<200x128xi1>, vector<200x128xi32>
    %select_n3A_766 = arith.select %gt3A_755, %select_n3A_765, %select_n3A_736 : vector<200x128xi1>, vector<200x128xi32>
    %broadcast_in_dim3A_767 = vector.broadcast %add3A_753 : i32 to vector<200x128xi32>
    %select_n3A_768 = arith.select %gt3A_755, %select_n3A_736, %broadcast_in_dim3A_767 : vector<200x128xi1>, vector<200x128xi32>
    %select_n3A_769 = arith.select %gt3A_756, %select_n3A_768, %select_n3A_739 : vector<200x128xi1>, vector<200x128xi32>
    %slice3A_770 = vector.extract_strided_slice %dot_general3A_7 {offsets = [0, 3712], sizes = [200, 128], strides = [1, 1]} : vector<200x4096xf32> to vector<200x128xf32>
    %sub3A_771 = arith.constant 100000 : i32
    %sub3A_772 = arith.subi %sub3A_771, %mul3A_8 : i32
    %sub3A_773 = arith.constant 3712 : i32
    %sub3A_774 = arith.subi %sub3A_772, %sub3A_773 : i32
    %lt3A_775 = vector.broadcast %sub3A_774 : i32 to vector<200x128xi32>
    %lt3A_776 = arith.cmpi slt, %iota3A, %lt3A_775 : vector<200x128xi32>
    %jit3A_777 = arith.constant 0xFF800000 : f32
    %broadcast_in_dim3A_778 = vector.broadcast %jit3A_777 : f32 to vector<200x128xf32>
    %select_n3A_779 = arith.select %lt3A_776, %slice3A_770, %broadcast_in_dim3A_778 : vector<200x128xi1>, vector<200x128xf32>
    %mul3A_780 = arith.constant 32 : i32
    %mul3A_781 = arith.muli %arg0, %mul3A_780 : i32
    %add3A_782 = arith.constant 29 : i32
    %add3A_783 = arith.addi %mul3A_781, %add3A_782 : i32
    %gt3A_784 = arith.cmpf ogt, %select_n3A_779, %max3A_758 : vector<200x128xf32>
    %gt3A_785 = arith.cmpf ogt, %select_n3A_779, %max3A_759 : vector<200x128xf32>
    %gt3A_786 = arith.cmpf ogt, %select_n3A_779, %max3A_761 : vector<200x128xf32>
    %min3A_787 = arith.minimumf %max3A_758, %select_n3A_779 : vector<200x128xf32>
    %max3A_788 = arith.maximumf %max3A_758, %select_n3A_779 : vector<200x128xf32>
    %max3A_789 = arith.maximumf %max3A_759, %min3A_787 : vector<200x128xf32>
    %min3A_790 = arith.minimumf %max3A_759, %min3A_787 : vector<200x128xf32>
    %max3A_791 = arith.maximumf %max3A_761, %min3A_790 : vector<200x128xf32>
    %broadcast_in_dim3A_792 = vector.broadcast %add3A_783 : i32 to vector<200x128xi32>
    %select_n3A_793 = arith.select %gt3A_784, %broadcast_in_dim3A_792, %select_n3A_763 : vector<200x128xi1>, vector<200x128xi32>
    %broadcast_in_dim3A_794 = vector.broadcast %add3A_783 : i32 to vector<200x128xi32>
    %select_n3A_795 = arith.select %gt3A_784, %select_n3A_763, %broadcast_in_dim3A_794 : vector<200x128xi1>, vector<200x128xi32>
    %select_n3A_796 = arith.select %gt3A_785, %select_n3A_795, %select_n3A_766 : vector<200x128xi1>, vector<200x128xi32>
    %broadcast_in_dim3A_797 = vector.broadcast %add3A_783 : i32 to vector<200x128xi32>
    %select_n3A_798 = arith.select %gt3A_785, %select_n3A_766, %broadcast_in_dim3A_797 : vector<200x128xi1>, vector<200x128xi32>
    %select_n3A_799 = arith.select %gt3A_786, %select_n3A_798, %select_n3A_769 : vector<200x128xi1>, vector<200x128xi32>
    %slice3A_800 = vector.extract_strided_slice %dot_general3A_7 {offsets = [0, 3840], sizes = [200, 128], strides = [1, 1]} : vector<200x4096xf32> to vector<200x128xf32>
    %sub3A_801 = arith.constant 100000 : i32
    %sub3A_802 = arith.subi %sub3A_801, %mul3A_8 : i32
    %sub3A_803 = arith.constant 3840 : i32
    %sub3A_804 = arith.subi %sub3A_802, %sub3A_803 : i32
    %lt3A_805 = vector.broadcast %sub3A_804 : i32 to vector<200x128xi32>
    %lt3A_806 = arith.cmpi slt, %iota3A, %lt3A_805 : vector<200x128xi32>
    %jit3A_807 = arith.constant 0xFF800000 : f32
    %broadcast_in_dim3A_808 = vector.broadcast %jit3A_807 : f32 to vector<200x128xf32>
    %select_n3A_809 = arith.select %lt3A_806, %slice3A_800, %broadcast_in_dim3A_808 : vector<200x128xi1>, vector<200x128xf32>
    %mul3A_810 = arith.constant 32 : i32
    %mul3A_811 = arith.muli %arg0, %mul3A_810 : i32
    %add3A_812 = arith.constant 30 : i32
    %add3A_813 = arith.addi %mul3A_811, %add3A_812 : i32
    %gt3A_814 = arith.cmpf ogt, %select_n3A_809, %max3A_788 : vector<200x128xf32>
    %gt3A_815 = arith.cmpf ogt, %select_n3A_809, %max3A_789 : vector<200x128xf32>
    %gt3A_816 = arith.cmpf ogt, %select_n3A_809, %max3A_791 : vector<200x128xf32>
    %min3A_817 = arith.minimumf %max3A_788, %select_n3A_809 : vector<200x128xf32>
    %max3A_818 = arith.maximumf %max3A_788, %select_n3A_809 : vector<200x128xf32>
    %max3A_819 = arith.maximumf %max3A_789, %min3A_817 : vector<200x128xf32>
    %min3A_820 = arith.minimumf %max3A_789, %min3A_817 : vector<200x128xf32>
    %max3A_821 = arith.maximumf %max3A_791, %min3A_820 : vector<200x128xf32>
    %broadcast_in_dim3A_822 = vector.broadcast %add3A_813 : i32 to vector<200x128xi32>
    %select_n3A_823 = arith.select %gt3A_814, %broadcast_in_dim3A_822, %select_n3A_793 : vector<200x128xi1>, vector<200x128xi32>
    %broadcast_in_dim3A_824 = vector.broadcast %add3A_813 : i32 to vector<200x128xi32>
    %select_n3A_825 = arith.select %gt3A_814, %select_n3A_793, %broadcast_in_dim3A_824 : vector<200x128xi1>, vector<200x128xi32>
    %select_n3A_826 = arith.select %gt3A_815, %select_n3A_825, %select_n3A_796 : vector<200x128xi1>, vector<200x128xi32>
    %broadcast_in_dim3A_827 = vector.broadcast %add3A_813 : i32 to vector<200x128xi32>
    %select_n3A_828 = arith.select %gt3A_815, %select_n3A_796, %broadcast_in_dim3A_827 : vector<200x128xi1>, vector<200x128xi32>
    %select_n3A_829 = arith.select %gt3A_816, %select_n3A_828, %select_n3A_799 : vector<200x128xi1>, vector<200x128xi32>
    %slice3A_830 = vector.extract_strided_slice %dot_general3A_7 {offsets = [0, 3968], sizes = [200, 128], strides = [1, 1]} : vector<200x4096xf32> to vector<200x128xf32>
    %sub3A_831 = arith.constant 100000 : i32
    %sub3A_832 = arith.subi %sub3A_831, %mul3A_8 : i32
    %sub3A_833 = arith.constant 3968 : i32
    %sub3A_834 = arith.subi %sub3A_832, %sub3A_833 : i32
    %lt3A_835 = vector.broadcast %sub3A_834 : i32 to vector<200x128xi32>
    %lt3A_836 = arith.cmpi slt, %iota3A, %lt3A_835 : vector<200x128xi32>
    %jit3A_837 = arith.constant 0xFF800000 : f32
    %broadcast_in_dim3A_838 = vector.broadcast %jit3A_837 : f32 to vector<200x128xf32>
    %select_n3A_839 = arith.select %lt3A_836, %slice3A_830, %broadcast_in_dim3A_838 : vector<200x128xi1>, vector<200x128xf32>
    %mul3A_840 = arith.constant 32 : i32
    %mul3A_841 = arith.muli %arg0, %mul3A_840 : i32
    %add3A_842 = arith.constant 31 : i32
    %add3A_843 = arith.addi %mul3A_841, %add3A_842 : i32
    %gt3A_844 = arith.cmpf ogt, %select_n3A_839, %max3A_818 : vector<200x128xf32>
    %gt3A_845 = arith.cmpf ogt, %select_n3A_839, %max3A_819 : vector<200x128xf32>
    %gt3A_846 = arith.cmpf ogt, %select_n3A_839, %max3A_821 : vector<200x128xf32>
    %min3A_847 = arith.minimumf %max3A_818, %select_n3A_839 : vector<200x128xf32>
    %max3A_848 = arith.maximumf %max3A_818, %select_n3A_839 : vector<200x128xf32>
    %max3A_849 = arith.maximumf %max3A_819, %min3A_847 : vector<200x128xf32>
    %min3A_850 = arith.minimumf %max3A_819, %min3A_847 : vector<200x128xf32>
    %max3A_851 = arith.maximumf %max3A_821, %min3A_850 : vector<200x128xf32>
    %broadcast_in_dim3A_852 = vector.broadcast %add3A_843 : i32 to vector<200x128xi32>
    %select_n3A_853 = arith.select %gt3A_844, %broadcast_in_dim3A_852, %select_n3A_823 : vector<200x128xi1>, vector<200x128xi32>
    %broadcast_in_dim3A_854 = vector.broadcast %add3A_843 : i32 to vector<200x128xi32>
    %select_n3A_855 = arith.select %gt3A_844, %select_n3A_823, %broadcast_in_dim3A_854 : vector<200x128xi1>, vector<200x128xi32>
    %select_n3A_856 = arith.select %gt3A_845, %select_n3A_855, %select_n3A_826 : vector<200x128xi1>, vector<200x128xi32>
    %broadcast_in_dim3A_857 = vector.broadcast %add3A_843 : i32 to vector<200x128xi32>
    %select_n3A_858 = arith.select %gt3A_845, %select_n3A_826, %broadcast_in_dim3A_857 : vector<200x128xi1>, vector<200x128xi32>
    %select_n3A_859 = arith.select %gt3A_846, %select_n3A_858, %select_n3A_829 : vector<200x128xi1>, vector<200x128xi32>
    %swap3A = arith.constant 0 : index
    %swap3A_860 = arith.constant 0 : index
    %swap3A_861 = vector.load %arg6[%swap3A, %swap3A_860] : memref<200x128xf32, #tpu.memory_space<vmem>>, vector<200x128xf32>
    tpu.vector_store %arg6[%swap3A, %swap3A_860], %max3A_848 {strides = array<i32>} : memref<200x128xf32, #tpu.memory_space<vmem>>, vector<200x128xf32>,
    %swap3A_862 = arith.constant 0 : index
    %swap3A_863 = arith.constant 0 : index
    %swap3A_864 = vector.load %arg7[%swap3A_862, %swap3A_863] : memref<200x128xf32, #tpu.memory_space<vmem>>, vector<200x128xf32>
    tpu.vector_store %arg7[%swap3A_862, %swap3A_863], %max3A_849 {strides = array<i32>} : memref<200x128xf32, #tpu.memory_space<vmem>>, vector<200x128xf32>,
    %swap3A_865 = arith.constant 0 : index
    %swap3A_866 = arith.constant 0 : index
    %swap3A_867 = vector.load %arg8[%swap3A_865, %swap3A_866] : memref<200x128xf32, #tpu.memory_space<vmem>>, vector<200x128xf32>
    tpu.vector_store %arg8[%swap3A_865, %swap3A_866], %max3A_851 {strides = array<i32>} : memref<200x128xf32, #tpu.memory_space<vmem>>, vector<200x128xf32>,
    %swap3A_868 = arith.constant 0 : index
    %swap3A_869 = arith.constant 0 : index
    %swap3A_870 = vector.load %arg9[%swap3A_868, %swap3A_869] : memref<200x128xi32, #tpu.memory_space<vmem>>, vector<200x128xi32>
    tpu.vector_store %arg9[%swap3A_868, %swap3A_869], %select_n3A_853 {strides = array<i32>} : memref<200x128xi32, #tpu.memory_space<vmem>>, vector<200x128xi32>,
    %swap3A_871 = arith.constant 0 : index
    %swap3A_872 = arith.constant 0 : index
    %swap3A_873 = vector.load %arg10[%swap3A_871, %swap3A_872] : memref<200x128xi32, #tpu.memory_space<vmem>>, vector<200x128xi32>
    tpu.vector_store %arg10[%swap3A_871, %swap3A_872], %select_n3A_856 {strides = array<i32>} : memref<200x128xi32, #tpu.memory_space<vmem>>, vector<200x128xi32>,
    %swap3A_874 = arith.constant 0 : index
    %swap3A_875 = arith.constant 0 : index
    %swap3A_876 = vector.load %arg11[%swap3A_874, %swap3A_875] : memref<200x128xi32, #tpu.memory_space<vmem>>, vector<200x128xi32>
    tpu.vector_store %arg11[%swap3A_874, %swap3A_875], %select_n3A_859 {strides = array<i32>} : memref<200x128xi32, #tpu.memory_space<vmem>>, vector<200x128xi32>,
    %eq3A_877 = arith.constant 24 : i32
    %eq3A_878 = arith.cmpi eq, %arg0, %eq3A_877 : i32
    %convert_element_type3A_879 = arith.extui %eq3A_878 : i1 to i32
    %cond3A_880 = arith.constant 0 : i32
    %cond3A_881 = arith.cmpi ne, %convert_element_type3A_879, %cond3A_880 : i32
    scf.if %cond3A_881 {
      %concatenate3A = tpu.concatenate %max3A_848, %max3A_849, %max3A_851 in 1 : vector<200x128xf32>, vector<200x128xf32>, vector<200x128xf32> -> vector<200x384xf32>
      %mul3A_882 = arith.constant 128 : i32
      %mul3A_883 = vector.broadcast %mul3A_882 : i32 to vector<200x128xi32>
      %mul3A_884 = arith.muli %select_n3A_853, %mul3A_883 : vector<200x128xi32>
      %add3A_885 = arith.addi %mul3A_884, %iota3A : vector<200x128xi32>
      %mul3A_886 = arith.constant 128 : i32
      %mul3A_887 = vector.broadcast %mul3A_886 : i32 to vector<200x128xi32>
      %mul3A_888 = arith.muli %select_n3A_856, %mul3A_887 : vector<200x128xi32>
      %add3A_889 = arith.addi %mul3A_888, %iota3A : vector<200x128xi32>
      %mul3A_890 = arith.constant 128 : i32
      %mul3A_891 = vector.broadcast %mul3A_890 : i32 to vector<200x128xi32>
      %mul3A_892 = arith.muli %select_n3A_859, %mul3A_891 : vector<200x128xi32>
      %add3A_893 = arith.addi %mul3A_892, %iota3A : vector<200x128xi32>
      %concatenate3A_894 = tpu.concatenate %add3A_885, %add3A_889, %add3A_893 in 1 : vector<200x128xi32>, vector<200x128xi32>, vector<200x128xi32> -> vector<200x384xi32>
      %reduce_max3A = arith.constant dense<0xFF800000> : vector<200xf32>
      %reduce_max3A_895 = vector.multi_reduction <maximumf>, %concatenate3A, %reduce_max3A [1] : vector<200x384xf32> to vector<200xf32>
      %broadcast_in_dim3A_896 = vector.shape_cast %reduce_max3A_895 : vector<200xf32> to vector<200x1xf32>
      %eq3A_897 = vector.broadcast %broadcast_in_dim3A_896 : vector<200x1xf32> to vector<200x384xf32>
      %eq3A_898 = arith.cmpf oeq, %concatenate3A, %eq3A_897 : vector<200x384xf32>
      %jit3A_899 = arith.constant 2147483647 : i32
      %broadcast_in_dim3A_900 = vector.broadcast %jit3A_899 : i32 to vector<200x384xi32>
      %select_n3A_901 = arith.select %eq3A_898, %concatenate3A_894, %broadcast_in_dim3A_900 : vector<200x384xi1>, vector<200x384xi32>
      %reduce_min3A = arith.constant dense<2147483647> : vector<200xi32>
      %reduce_min3A_902 = vector.multi_reduction <minsi>, %select_n3A_901, %reduce_min3A [1] : vector<200x384xi32> to vector<200xi32>
      %broadcast_in_dim3A_903 = vector.shape_cast %reduce_min3A_902 : vector<200xi32> to vector<200x1xi32>
      %eq3A_904 = vector.broadcast %broadcast_in_dim3A_903 : vector<200x1xi32> to vector<200x384xi32>
      %eq3A_905 = arith.cmpi eq, %concatenate3A_894, %eq3A_904 : vector<200x384xi32>
      %and3A = arith.andi %eq3A_898, %eq3A_905 : vector<200x384xi1>
      %jit3A_906 = arith.constant 0xFF800000 : f32
      %broadcast_in_dim3A_907 = vector.broadcast %jit3A_906 : f32 to vector<200x384xf32>
      %select_n3A_908 = arith.select %and3A, %broadcast_in_dim3A_907, %concatenate3A : vector<200x384xi1>, vector<200x384xf32>
      %reduce_max3A_909 = arith.constant dense<0xFF800000> : vector<200xf32>
      %reduce_max3A_910 = vector.multi_reduction <maximumf>, %select_n3A_908, %reduce_max3A_909 [1] : vector<200x384xf32> to vector<200xf32>
      %broadcast_in_dim3A_911 = vector.shape_cast %reduce_max3A_910 : vector<200xf32> to vector<200x1xf32>
      %eq3A_912 = vector.broadcast %broadcast_in_dim3A_911 : vector<200x1xf32> to vector<200x384xf32>
      %eq3A_913 = arith.cmpf oeq, %select_n3A_908, %eq3A_912 : vector<200x384xf32>
      %jit3A_914 = arith.constant 2147483647 : i32
      %broadcast_in_dim3A_915 = vector.broadcast %jit3A_914 : i32 to vector<200x384xi32>
      %select_n3A_916 = arith.select %eq3A_913, %concatenate3A_894, %broadcast_in_dim3A_915 : vector<200x384xi1>, vector<200x384xi32>
      %reduce_min3A_917 = arith.constant dense<2147483647> : vector<200xi32>
      %reduce_min3A_918 = vector.multi_reduction <minsi>, %select_n3A_916, %reduce_min3A_917 [1] : vector<200x384xi32> to vector<200xi32>
      %broadcast_in_dim3A_919 = vector.shape_cast %reduce_min3A_918 : vector<200xi32> to vector<200x1xi32>
      %eq3A_920 = vector.broadcast %broadcast_in_dim3A_919 : vector<200x1xi32> to vector<200x384xi32>
      %eq3A_921 = arith.cmpi eq, %concatenate3A_894, %eq3A_920 : vector<200x384xi32>
      %and3A_922 = arith.andi %eq3A_913, %eq3A_921 : vector<200x384xi1>
      %jit3A_923 = arith.constant 0xFF800000 : f32
      %broadcast_in_dim3A_924 = vector.broadcast %jit3A_923 : f32 to vector<200x384xf32>
      %select_n3A_925 = arith.select %and3A_922, %broadcast_in_dim3A_924, %select_n3A_908 : vector<200x384xi1>, vector<200x384xf32>
      %reduce_max3A_926 = arith.constant dense<0xFF800000> : vector<200xf32>
      %reduce_max3A_927 = vector.multi_reduction <maximumf>, %select_n3A_925, %reduce_max3A_926 [1] : vector<200x384xf32> to vector<200xf32>
      %broadcast_in_dim3A_928 = vector.shape_cast %reduce_max3A_927 : vector<200xf32> to vector<200x1xf32>
      %eq3A_929 = vector.broadcast %broadcast_in_dim3A_928 : vector<200x1xf32> to vector<200x384xf32>
      %eq3A_930 = arith.cmpf oeq, %select_n3A_925, %eq3A_929 : vector<200x384xf32>
      %jit3A_931 = arith.constant 2147483647 : i32
      %broadcast_in_dim3A_932 = vector.broadcast %jit3A_931 : i32 to vector<200x384xi32>
      %select_n3A_933 = arith.select %eq3A_930, %concatenate3A_894, %broadcast_in_dim3A_932 : vector<200x384xi1>, vector<200x384xi32>
      %reduce_min3A_934 = arith.constant dense<2147483647> : vector<200xi32>
      %reduce_min3A_935 = vector.multi_reduction <minsi>, %select_n3A_933, %reduce_min3A_934 [1] : vector<200x384xi32> to vector<200xi32>
      %broadcast_in_dim3A_936 = vector.shape_cast %reduce_min3A_935 : vector<200xi32> to vector<200x1xi32>
      %broadcast_in_dim3A_937 = arith.constant 0.000000e+00 : f32
      %broadcast_in_dim3A_938 = vector.broadcast %broadcast_in_dim3A_937 : f32 to vector<200x125xf32>
      %broadcast_in_dim3A_939 = arith.constant 0 : i32
      %broadcast_in_dim3A_940 = vector.broadcast %broadcast_in_dim3A_939 : i32 to vector<200x125xi32>
      %concatenate3A_941 = tpu.concatenate %broadcast_in_dim3A_896, %broadcast_in_dim3A_911, %broadcast_in_dim3A_928, %broadcast_in_dim3A_938 in 1 : vector<200x1xf32>, vector<200x1xf32>, vector<200x1xf32>, vector<200x125xf32> -> vector<200x128xf32>
      %swap3A_942 = arith.constant 0 : index
      %swap3A_943 = arith.constant 0 : index
      %swap3A_944 = vector.load %arg3[%swap3A_942, %swap3A_943] : memref<200x128xf32, #tpu.memory_space<vmem>>, vector<200x128xf32>
      tpu.vector_store %arg3[%swap3A_942, %swap3A_943], %concatenate3A_941 {strides = array<i32>} : memref<200x128xf32, #tpu.memory_space<vmem>>, vector<200x128xf32>,
      %concatenate3A_945 = tpu.concatenate %broadcast_in_dim3A_903, %broadcast_in_dim3A_919, %broadcast_in_dim3A_936, %broadcast_in_dim3A_940 in 1 : vector<200x1xi32>, vector<200x1xi32>, vector<200x1xi32>, vector<200x125xi32> -> vector<200x128xi32>
      %swap3A_946 = arith.constant 0 : index
      %swap3A_947 = arith.constant 0 : index
      %swap3A_948 = vector.load %arg4[%swap3A_946, %swap3A_947] : memref<200x128xi32, #tpu.memory_space<vmem>>, vector<200x128xi32>
      tpu.vector_store %arg4[%swap3A_946, %swap3A_947], %concatenate3A_945 {strides = array<i32>} : memref<200x128xi32, #tpu.memory_space<vmem>>, vector<200x128xi32>,
    } else {
    }
    return
  }
  func.func @transform_0(%arg0: i32) -> (i32, i32) {
    %c0_i32 = arith.constant 0 : i32
    %c0_i32_0 = arith.constant 0 : i32
    %c0_i32_1 = arith.constant 0 : i32
    return %c0_i32, %c0_i32_0 : i32, i32
  }
  func.func @transform_1(%arg0: i32) -> (i32, i32) {
    %c0_i32 = arith.constant 0 : i32
    %c0_i32_0 = arith.constant 0 : i32
    return %arg0, %c0_i32 : i32, i32
  }
  func.func @transform_2(%arg0: i32) -> (i32, i32) {
    %c0_i32 = arith.constant 0 : i32
    %c0_i32_0 = arith.constant 0 : i32
    %c0_i32_1 = arith.constant 0 : i32
    return %c0_i32, %c0_i32_0 : i32, i32
  }
  func.func @transform_3(%arg0: i32) -> (i32, i32) {
    %c0_i32 = arith.constant 0 : i32
    %c0_i32_0 = arith.constant 0 : i32
    %c0_i32_1 = arith.constant 0 : i32
    return %c0_i32, %c0_i32_0 : i32, i32
  }
}

module attributes {stable_mosaic.version = 14 : i64} {
  func.func @_fuse_body(%arg0: memref<200x128xf32, #tpu.memory_space<vmem>>, %arg1: memref<768x128xf32, #tpu.memory_space<vmem>>, %arg2: memref<200x128xf32, #tpu.memory_space<vmem>>, %arg3: memref<200x128xi32, #tpu.memory_space<vmem>>, %arg4: memref<1x128xf32, #tpu.memory_space<vmem>>, %arg5: memref<1x128xf32, #tpu.memory_space<vmem>>, %arg6: memref<128x512xf32, #tpu.memory_space<vmem>>, %arg7: memref<1x512xf32, #tpu.memory_space<vmem>>, %arg8: memref<512x128xf32, #tpu.memory_space<vmem>>, %arg9: memref<1x128xf32, #tpu.memory_space<vmem>>, %arg10: memref<128x128xf32, #tpu.memory_space<vmem>>, %arg11: memref<128x128xf32, #tpu.memory_space<vmem>>, %arg12: memref<1x128xf32, #tpu.memory_space<vmem>>, %arg13: memref<200x128xf32, #tpu.memory_space<vmem>>) attributes {dimension_semantics = [], scalar_prefetch = 0 : i64, scratch_operands = 0 : i64, tpu.core_type = #tpu.core_type<tc>} {
    %get3A = arith.constant 0 : index
    %get3A_0 = arith.constant 0 : index
    %get3A_1 = vector.load %arg3[%get3A, %get3A_0] : memref<200x128xi32, #tpu.memory_space<vmem>>, vector<200x128xi32>
    %get3A_2 = arith.constant 0 : index
    %get3A_3 = arith.constant 0 : index
    %get3A_4 = vector.load %arg1[%get3A_2, %get3A_3] : memref<768x128xf32, #tpu.memory_space<vmem>>, vector<200x128xf32>
    %slice3A = vector.extract_strided_slice %get3A_1 {offsets = [0, 0], sizes = [200, 1], strides = [1, 1]} : vector<200x128xi32> to vector<200x1xi32>
    %rem3A = arith.constant 4 : i32
    %rem3A_5 = vector.broadcast %rem3A : i32 to vector<200x1xi32>
    %rem3A_6 = arith.remsi %slice3A, %rem3A_5 : vector<200x1xi32>
    %slice3A_7 = vector.extract_strided_slice %get3A_4 {offsets = [0, 0], sizes = [200, 32], strides = [1, 1]} : vector<200x128xf32> to vector<200x32xf32>
    %eq3A = arith.constant 1 : i32
    %eq3A_8 = vector.broadcast %eq3A : i32 to vector<200x1xi32>
    %eq3A_9 = arith.cmpi eq, %rem3A_6, %eq3A_8 : vector<200x1xi32>
    %slice3A_10 = vector.extract_strided_slice %get3A_4 {offsets = [0, 32], sizes = [200, 32], strides = [1, 1]} : vector<200x128xf32> to vector<200x32xf32>
    %broadcast_in_dim3A = vector.shape_cast %eq3A_9 : vector<200x1xi1> to vector<200x1xi1>
    %broadcast_in_dim3A_11 = vector.broadcast %broadcast_in_dim3A : vector<200x1xi1> to vector<200x32xi1>
    %select_n3A = arith.select %broadcast_in_dim3A_11, %slice3A_10, %slice3A_7 : vector<200x32xi1>, vector<200x32xf32>
    %eq3A_12 = arith.constant 2 : i32
    %eq3A_13 = vector.broadcast %eq3A_12 : i32 to vector<200x1xi32>
    %eq3A_14 = arith.cmpi eq, %rem3A_6, %eq3A_13 : vector<200x1xi32>
    %slice3A_15 = vector.extract_strided_slice %get3A_4 {offsets = [0, 64], sizes = [200, 32], strides = [1, 1]} : vector<200x128xf32> to vector<200x32xf32>
    %broadcast_in_dim3A_16 = vector.shape_cast %eq3A_14 : vector<200x1xi1> to vector<200x1xi1>
    %broadcast_in_dim3A_17 = vector.broadcast %broadcast_in_dim3A_16 : vector<200x1xi1> to vector<200x32xi1>
    %select_n3A_18 = arith.select %broadcast_in_dim3A_17, %slice3A_15, %select_n3A : vector<200x32xi1>, vector<200x32xf32>
    %eq3A_19 = arith.constant 3 : i32
    %eq3A_20 = vector.broadcast %eq3A_19 : i32 to vector<200x1xi32>
    %eq3A_21 = arith.cmpi eq, %rem3A_6, %eq3A_20 : vector<200x1xi32>
    %slice3A_22 = vector.extract_strided_slice %get3A_4 {offsets = [0, 96], sizes = [200, 32], strides = [1, 1]} : vector<200x128xf32> to vector<200x32xf32>
    %broadcast_in_dim3A_23 = vector.shape_cast %eq3A_21 : vector<200x1xi1> to vector<200x1xi1>
    %broadcast_in_dim3A_24 = vector.broadcast %broadcast_in_dim3A_23 : vector<200x1xi1> to vector<200x32xi1>
    %select_n3A_25 = arith.select %broadcast_in_dim3A_24, %slice3A_22, %select_n3A_18 : vector<200x32xi1>, vector<200x32xf32>
    %get3A_26 = arith.constant 256 : index
    %get3A_27 = arith.constant 0 : index
    %get3A_28 = vector.load %arg1[%get3A_26, %get3A_27] : memref<768x128xf32, #tpu.memory_space<vmem>>, vector<200x128xf32>
    %slice3A_29 = vector.extract_strided_slice %get3A_1 {offsets = [0, 1], sizes = [200, 1], strides = [1, 1]} : vector<200x128xi32> to vector<200x1xi32>
    %rem3A_30 = arith.constant 4 : i32
    %rem3A_31 = vector.broadcast %rem3A_30 : i32 to vector<200x1xi32>
    %rem3A_32 = arith.remsi %slice3A_29, %rem3A_31 : vector<200x1xi32>
    %slice3A_33 = vector.extract_strided_slice %get3A_28 {offsets = [0, 0], sizes = [200, 32], strides = [1, 1]} : vector<200x128xf32> to vector<200x32xf32>
    %eq3A_34 = arith.constant 1 : i32
    %eq3A_35 = vector.broadcast %eq3A_34 : i32 to vector<200x1xi32>
    %eq3A_36 = arith.cmpi eq, %rem3A_32, %eq3A_35 : vector<200x1xi32>
    %slice3A_37 = vector.extract_strided_slice %get3A_28 {offsets = [0, 32], sizes = [200, 32], strides = [1, 1]} : vector<200x128xf32> to vector<200x32xf32>
    %broadcast_in_dim3A_38 = vector.shape_cast %eq3A_36 : vector<200x1xi1> to vector<200x1xi1>
    %broadcast_in_dim3A_39 = vector.broadcast %broadcast_in_dim3A_38 : vector<200x1xi1> to vector<200x32xi1>
    %select_n3A_40 = arith.select %broadcast_in_dim3A_39, %slice3A_37, %slice3A_33 : vector<200x32xi1>, vector<200x32xf32>
    %eq3A_41 = arith.constant 2 : i32
    %eq3A_42 = vector.broadcast %eq3A_41 : i32 to vector<200x1xi32>
    %eq3A_43 = arith.cmpi eq, %rem3A_32, %eq3A_42 : vector<200x1xi32>
    %slice3A_44 = vector.extract_strided_slice %get3A_28 {offsets = [0, 64], sizes = [200, 32], strides = [1, 1]} : vector<200x128xf32> to vector<200x32xf32>
    %broadcast_in_dim3A_45 = vector.shape_cast %eq3A_43 : vector<200x1xi1> to vector<200x1xi1>
    %broadcast_in_dim3A_46 = vector.broadcast %broadcast_in_dim3A_45 : vector<200x1xi1> to vector<200x32xi1>
    %select_n3A_47 = arith.select %broadcast_in_dim3A_46, %slice3A_44, %select_n3A_40 : vector<200x32xi1>, vector<200x32xf32>
    %eq3A_48 = arith.constant 3 : i32
    %eq3A_49 = vector.broadcast %eq3A_48 : i32 to vector<200x1xi32>
    %eq3A_50 = arith.cmpi eq, %rem3A_32, %eq3A_49 : vector<200x1xi32>
    %slice3A_51 = vector.extract_strided_slice %get3A_28 {offsets = [0, 96], sizes = [200, 32], strides = [1, 1]} : vector<200x128xf32> to vector<200x32xf32>
    %broadcast_in_dim3A_52 = vector.shape_cast %eq3A_50 : vector<200x1xi1> to vector<200x1xi1>
    %broadcast_in_dim3A_53 = vector.broadcast %broadcast_in_dim3A_52 : vector<200x1xi1> to vector<200x32xi1>
    %select_n3A_54 = arith.select %broadcast_in_dim3A_53, %slice3A_51, %select_n3A_47 : vector<200x32xi1>, vector<200x32xf32>
    %get3A_55 = arith.constant 512 : index
    %get3A_56 = arith.constant 0 : index
    %get3A_57 = vector.load %arg1[%get3A_55, %get3A_56] : memref<768x128xf32, #tpu.memory_space<vmem>>, vector<200x128xf32>
    %slice3A_58 = vector.extract_strided_slice %get3A_1 {offsets = [0, 2], sizes = [200, 1], strides = [1, 1]} : vector<200x128xi32> to vector<200x1xi32>
    %rem3A_59 = arith.constant 4 : i32
    %rem3A_60 = vector.broadcast %rem3A_59 : i32 to vector<200x1xi32>
    %rem3A_61 = arith.remsi %slice3A_58, %rem3A_60 : vector<200x1xi32>
    %slice3A_62 = vector.extract_strided_slice %get3A_57 {offsets = [0, 0], sizes = [200, 32], strides = [1, 1]} : vector<200x128xf32> to vector<200x32xf32>
    %eq3A_63 = arith.constant 1 : i32
    %eq3A_64 = vector.broadcast %eq3A_63 : i32 to vector<200x1xi32>
    %eq3A_65 = arith.cmpi eq, %rem3A_61, %eq3A_64 : vector<200x1xi32>
    %slice3A_66 = vector.extract_strided_slice %get3A_57 {offsets = [0, 32], sizes = [200, 32], strides = [1, 1]} : vector<200x128xf32> to vector<200x32xf32>
    %broadcast_in_dim3A_67 = vector.shape_cast %eq3A_65 : vector<200x1xi1> to vector<200x1xi1>
    %broadcast_in_dim3A_68 = vector.broadcast %broadcast_in_dim3A_67 : vector<200x1xi1> to vector<200x32xi1>
    %select_n3A_69 = arith.select %broadcast_in_dim3A_68, %slice3A_66, %slice3A_62 : vector<200x32xi1>, vector<200x32xf32>
    %eq3A_70 = arith.constant 2 : i32
    %eq3A_71 = vector.broadcast %eq3A_70 : i32 to vector<200x1xi32>
    %eq3A_72 = arith.cmpi eq, %rem3A_61, %eq3A_71 : vector<200x1xi32>
    %slice3A_73 = vector.extract_strided_slice %get3A_57 {offsets = [0, 64], sizes = [200, 32], strides = [1, 1]} : vector<200x128xf32> to vector<200x32xf32>
    %broadcast_in_dim3A_74 = vector.shape_cast %eq3A_72 : vector<200x1xi1> to vector<200x1xi1>
    %broadcast_in_dim3A_75 = vector.broadcast %broadcast_in_dim3A_74 : vector<200x1xi1> to vector<200x32xi1>
    %select_n3A_76 = arith.select %broadcast_in_dim3A_75, %slice3A_73, %select_n3A_69 : vector<200x32xi1>, vector<200x32xf32>
    %eq3A_77 = arith.constant 3 : i32
    %eq3A_78 = vector.broadcast %eq3A_77 : i32 to vector<200x1xi32>
    %eq3A_79 = arith.cmpi eq, %rem3A_61, %eq3A_78 : vector<200x1xi32>
    %slice3A_80 = vector.extract_strided_slice %get3A_57 {offsets = [0, 96], sizes = [200, 32], strides = [1, 1]} : vector<200x128xf32> to vector<200x32xf32>
    %broadcast_in_dim3A_81 = vector.shape_cast %eq3A_79 : vector<200x1xi1> to vector<200x1xi1>
    %broadcast_in_dim3A_82 = vector.broadcast %broadcast_in_dim3A_81 : vector<200x1xi1> to vector<200x32xi1>
    %select_n3A_83 = arith.select %broadcast_in_dim3A_82, %slice3A_80, %select_n3A_76 : vector<200x32xi1>, vector<200x32xf32>
    %get3A_84 = arith.constant 0 : index
    %get3A_85 = arith.constant 0 : index
    %get3A_86 = vector.load %arg2[%get3A_84, %get3A_85] : memref<200x128xf32, #tpu.memory_space<vmem>>, vector<200x128xf32>
    %slice3A_87 = vector.extract_strided_slice %get3A_86 {offsets = [0, 0], sizes = [200, 3], strides = [1, 1]} : vector<200x128xf32> to vector<200x3xf32>
    %broadcast_in_dim3A_88 = arith.constant 0.000000e+00 : f32
    %broadcast_in_dim3A_89 = vector.broadcast %broadcast_in_dim3A_88 : f32 to vector<200x29xf32>
    %concatenate3A = tpu.concatenate %select_n3A_25, %select_n3A_54, %select_n3A_83, %slice3A_87, %broadcast_in_dim3A_89 in 1 : vector<200x32xf32>, vector<200x32xf32>, vector<200x32xf32>, vector<200x3xf32>, vector<200x29xf32> -> vector<200x128xf32>
    %iota3A = tpu.iota {dimensions = array<i32: 1>} : vector<200x128xi32>
    %lt3A = arith.constant 99 : i32
    %lt3A_90 = vector.broadcast %lt3A : i32 to vector<200x128xi32>
    %lt3A_91 = arith.cmpi slt, %iota3A, %lt3A_90 : vector<200x128xi32>
    %convert_element_type3A = arith.extui %lt3A_91 : vector<200x128xi1> to vector<200x128xi32>
    %convert_element_type3A_92 = arith.sitofp %convert_element_type3A : vector<200x128xi32> to vector<200x128xf32>
    %reduce_sum3A = arith.constant dense<0.000000e+00> : vector<200xf32>
    %reduce_sum3A_93 = vector.multi_reduction <add>, %concatenate3A, %reduce_sum3A [1] : vector<200x128xf32> to vector<200xf32>
    %broadcast_in_dim3A_94 = vector.shape_cast %reduce_sum3A_93 : vector<200xf32> to vector<200x1xf32>
    %div3A = arith.constant 9.900000e+01 : f32
    %div3A_95 = vector.broadcast %div3A : f32 to vector<200x1xf32>
    %div3A_96 = arith.divf %broadcast_in_dim3A_94, %div3A_95 : vector<200x1xf32>
    %sub3A = vector.broadcast %div3A_96 : vector<200x1xf32> to vector<200x128xf32>
    %sub3A_97 = arith.subf %concatenate3A, %sub3A : vector<200x128xf32>
    %mul3A = arith.mulf %sub3A_97, %convert_element_type3A_92 : vector<200x128xf32>
    %mul3A_98 = arith.mulf %mul3A, %mul3A : vector<200x128xf32>
    %reduce_sum3A_99 = arith.constant dense<0.000000e+00> : vector<200xf32>
    %reduce_sum3A_100 = vector.multi_reduction <add>, %mul3A_98, %reduce_sum3A_99 [1] : vector<200x128xf32> to vector<200xf32>
    %broadcast_in_dim3A_101 = vector.shape_cast %reduce_sum3A_100 : vector<200xf32> to vector<200x1xf32>
    %div3A_102 = arith.constant 9.900000e+01 : f32
    %div3A_103 = vector.broadcast %div3A_102 : f32 to vector<200x1xf32>
    %div3A_104 = arith.divf %broadcast_in_dim3A_101, %div3A_103 : vector<200x1xf32>
    %add3A = arith.constant 9.99999974E-6 : f32
    %add3A_105 = vector.broadcast %add3A : f32 to vector<200x1xf32>
    %add3A_106 = arith.addf %div3A_104, %add3A_105 : vector<200x1xf32>
    %sqrt3A = math.sqrt %add3A_106 : vector<200x1xf32>
    %div3A_107 = vector.broadcast %sqrt3A : vector<200x1xf32> to vector<200x128xf32>
    %div3A_108 = arith.divf %mul3A, %div3A_107 : vector<200x128xf32>
    %get3A_109 = arith.constant 0 : index
    %get3A_110 = arith.constant 0 : index
    %get3A_111 = vector.load %arg4[%get3A_109, %get3A_110] : memref<1x128xf32, #tpu.memory_space<vmem>>, vector<1x128xf32>
    %mul3A_112 = vector.broadcast %get3A_111 : vector<1x128xf32> to vector<200x128xf32>
    %mul3A_113 = arith.mulf %div3A_108, %mul3A_112 : vector<200x128xf32>
    %get3A_114 = arith.constant 0 : index
    %get3A_115 = arith.constant 0 : index
    %get3A_116 = vector.load %arg5[%get3A_114, %get3A_115] : memref<1x128xf32, #tpu.memory_space<vmem>>, vector<1x128xf32>
    %add3A_117 = vector.broadcast %get3A_116 : vector<1x128xf32> to vector<200x128xf32>
    %add3A_118 = arith.addf %mul3A_113, %add3A_117 : vector<200x128xf32>
    %get3A_119 = arith.constant 0 : index
    %get3A_120 = arith.constant 0 : index
    %get3A_121 = vector.load %arg6[%get3A_119, %get3A_120] : memref<128x512xf32, #tpu.memory_space<vmem>>, vector<128x512xf32>
    %dot_general3A = arith.constant dense<0.000000e+00> : vector<200x512xf32>
    %dot_general3A_122 = tpu.matmul %add3A_118, %get3A_121, %dot_general3A {dimension_numbers = #tpu.dot_dimension_numbers<[1], [0], [0], [1], [0, 0, 1, 1], [], []>, precision = #tpu.contract_precision<fp32>, transpose_lhs_hint = false} : vector<200x128xf32>, vector<128x512xf32>, vector<200x512xf32> -> vector<200x512xf32>
    %get3A_123 = arith.constant 0 : index
    %get3A_124 = arith.constant 0 : index
    %get3A_125 = vector.load %arg7[%get3A_123, %get3A_124] : memref<1x512xf32, #tpu.memory_space<vmem>>, vector<1x512xf32>
    %add3A_126 = vector.broadcast %get3A_125 : vector<1x512xf32> to vector<200x512xf32>
    %add3A_127 = arith.addf %dot_general3A_122, %add3A_126 : vector<200x512xf32>
    %mul3A_128 = arith.constant 5.000000e-01 : f32
    %mul3A_129 = vector.broadcast %mul3A_128 : f32 to vector<200x512xf32>
    %mul3A_130 = arith.mulf %mul3A_129, %add3A_127 : vector<200x512xf32>
    %mul3A_131 = arith.constant 0.707106769 : f32
    %mul3A_132 = vector.broadcast %mul3A_131 : f32 to vector<200x512xf32>
    %mul3A_133 = arith.mulf %add3A_127, %mul3A_132 : vector<200x512xf32>
    %erf3A = math.erf %mul3A_133 : vector<200x512xf32>
    %add3A_134 = arith.constant 1.000000e+00 : f32
    %add3A_135 = vector.broadcast %add3A_134 : f32 to vector<200x512xf32>
    %add3A_136 = arith.addf %add3A_135, %erf3A : vector<200x512xf32>
    %mul3A_137 = arith.mulf %mul3A_130, %add3A_136 : vector<200x512xf32>
    %get3A_138 = arith.constant 0 : index
    %get3A_139 = arith.constant 0 : index
    %get3A_140 = vector.load %arg8[%get3A_138, %get3A_139] : memref<512x128xf32, #tpu.memory_space<vmem>>, vector<512x128xf32>
    %dot_general3A_141 = arith.constant dense<0.000000e+00> : vector<200x128xf32>
    %dot_general3A_142 = tpu.matmul %mul3A_137, %get3A_140, %dot_general3A_141 {dimension_numbers = #tpu.dot_dimension_numbers<[1], [0], [0], [1], [0, 0, 1, 1], [], []>, precision = #tpu.contract_precision<fp32>, transpose_lhs_hint = false} : vector<200x512xf32>, vector<512x128xf32>, vector<200x128xf32> -> vector<200x128xf32>
    %get3A_143 = arith.constant 0 : index
    %get3A_144 = arith.constant 0 : index
    %get3A_145 = vector.load %arg9[%get3A_143, %get3A_144] : memref<1x128xf32, #tpu.memory_space<vmem>>, vector<1x128xf32>
    %add3A_146 = vector.broadcast %get3A_145 : vector<1x128xf32> to vector<200x128xf32>
    %add3A_147 = arith.addf %dot_general3A_142, %add3A_146 : vector<200x128xf32>
    %get3A_148 = arith.constant 0 : index
    %get3A_149 = arith.constant 0 : index
    %get3A_150 = vector.load %arg0[%get3A_148, %get3A_149] : memref<200x128xf32, #tpu.memory_space<vmem>>, vector<200x128xf32>
    %get3A_151 = arith.constant 0 : index
    %get3A_152 = arith.constant 0 : index
    %get3A_153 = vector.load %arg10[%get3A_151, %get3A_152] : memref<128x128xf32, #tpu.memory_space<vmem>>, vector<128x128xf32>
    %dot_general3A_154 = arith.constant dense<0.000000e+00> : vector<200x128xf32>
    %dot_general3A_155 = tpu.matmul %get3A_150, %get3A_153, %dot_general3A_154 {dimension_numbers = #tpu.dot_dimension_numbers<[1], [0], [0], [1], [0, 0, 1, 1], [], []>, precision = #tpu.contract_precision<fp32>, transpose_lhs_hint = false} : vector<200x128xf32>, vector<128x128xf32>, vector<200x128xf32> -> vector<200x128xf32>
    %get3A_156 = arith.constant 0 : index
    %get3A_157 = arith.constant 0 : index
    %get3A_158 = vector.load %arg11[%get3A_156, %get3A_157] : memref<128x128xf32, #tpu.memory_space<vmem>>, vector<128x128xf32>
    %dot_general3A_159 = arith.constant dense<0.000000e+00> : vector<200x128xf32>
    %dot_general3A_160 = tpu.matmul %add3A_147, %get3A_158, %dot_general3A_159 {dimension_numbers = #tpu.dot_dimension_numbers<[1], [0], [0], [1], [0, 0, 1, 1], [], []>, precision = #tpu.contract_precision<fp32>, transpose_lhs_hint = false} : vector<200x128xf32>, vector<128x128xf32>, vector<200x128xf32> -> vector<200x128xf32>
    %add3A_161 = arith.addf %dot_general3A_155, %dot_general3A_160 : vector<200x128xf32>
    %get3A_162 = arith.constant 0 : index
    %get3A_163 = arith.constant 0 : index
    %get3A_164 = vector.load %arg12[%get3A_162, %get3A_163] : memref<1x128xf32, #tpu.memory_space<vmem>>, vector<1x128xf32>
    %add3A_165 = vector.broadcast %get3A_164 : vector<1x128xf32> to vector<200x128xf32>
    %add3A_166 = arith.addf %add3A_161, %add3A_165 : vector<200x128xf32>
    %logistic3A = arith.negf %add3A_166 : vector<200x128xf32>
    %logistic3A_167 = math.exp %logistic3A : vector<200x128xf32>
    %logistic3A_168 = arith.constant 1.000000e+00 : f32
    %logistic3A_169 = vector.broadcast %logistic3A_168 : f32 to vector<200x128xf32>
    %logistic3A_170 = arith.addf %logistic3A_169, %logistic3A_167 : vector<200x128xf32>
    %logistic3A_171 = arith.divf %logistic3A_169, %logistic3A_170 : vector<200x128xf32>
    %mul3A_172 = arith.mulf %logistic3A_171, %add3A_147 : vector<200x128xf32>
    %add3A_173 = arith.addf %get3A_150, %mul3A_172 : vector<200x128xf32>
    %reduce_sum3A_174 = arith.constant dense<0.000000e+00> : vector<200xf32>
    %reduce_sum3A_175 = vector.multi_reduction <add>, %add3A_173, %reduce_sum3A_174 [1] : vector<200x128xf32> to vector<200xf32>
    %broadcast_in_dim3A_176 = vector.shape_cast %reduce_sum3A_175 : vector<200xf32> to vector<200x1xf32>
    %div3A_177 = arith.constant 1.280000e+02 : f32
    %div3A_178 = vector.broadcast %div3A_177 : f32 to vector<200x1xf32>
    %div3A_179 = arith.divf %broadcast_in_dim3A_176, %div3A_178 : vector<200x1xf32>
    %sub3A_180 = vector.broadcast %div3A_179 : vector<200x1xf32> to vector<200x128xf32>
    %sub3A_181 = arith.subf %add3A_173, %sub3A_180 : vector<200x128xf32>
    %integer_pow3A = arith.mulf %sub3A_181, %sub3A_181 : vector<200x128xf32>
    %reduce_sum3A_182 = arith.constant dense<0.000000e+00> : vector<200xf32>
    %reduce_sum3A_183 = vector.multi_reduction <add>, %integer_pow3A, %reduce_sum3A_182 [1] : vector<200x128xf32> to vector<200xf32>
    %broadcast_in_dim3A_184 = vector.shape_cast %reduce_sum3A_183 : vector<200xf32> to vector<200x1xf32>
    %div3A_185 = arith.constant 1.280000e+02 : f32
    %div3A_186 = vector.broadcast %div3A_185 : f32 to vector<200x1xf32>
    %div3A_187 = arith.divf %broadcast_in_dim3A_184, %div3A_186 : vector<200x1xf32>
    %sub3A_188 = vector.broadcast %div3A_179 : vector<200x1xf32> to vector<200x128xf32>
    %sub3A_189 = arith.subf %add3A_173, %sub3A_188 : vector<200x128xf32>
    %add3A_190 = arith.constant 9.99999974E-6 : f32
    %add3A_191 = vector.broadcast %add3A_190 : f32 to vector<200x1xf32>
    %add3A_192 = arith.addf %div3A_187, %add3A_191 : vector<200x1xf32>
    %sqrt3A_193 = math.sqrt %add3A_192 : vector<200x1xf32>
    %div3A_194 = vector.broadcast %sqrt3A_193 : vector<200x1xf32> to vector<200x128xf32>
    %div3A_195 = arith.divf %sub3A_189, %div3A_194 : vector<200x128xf32>
    %swap3A = arith.constant 0 : index
    %swap3A_196 = arith.constant 0 : index
    %swap3A_197 = vector.load %arg13[%swap3A, %swap3A_196] : memref<200x128xf32, #tpu.memory_space<vmem>>, vector<200x128xf32>
    tpu.vector_store %arg13[%swap3A, %swap3A_196], %div3A_195 {strides = array<i32>} : memref<200x128xf32, #tpu.memory_space<vmem>>, vector<200x128xf32>,
    return
  }
}

</mosaic_0001>

<sc_bundles>
// kernel: kernel.5.cloned.1.call-start
scs
__scs_entry_jumppad:
0x0: {  	(pc) =	sbr.rel $0x88, $3  }
0x1: {  	(tag) =	ssettag $0x0;
	lr =	simm.s32 $0x1  }
0x2: {  	[smem:$0x3F96] =	sst lr;
	_ =	strace $0xD0000000  }
0x3: {  	_ = 	snop  }
0x4: {  	_ = 	snop  }
0x5: {  	_ = 	snop  }
0x6: {  	_ = 	snop  }
0x7: {  	_ = 	snop  }
__scs_overlays_trampoline_lowered:
0x8: {  	[smem:$0x3FA5] =	sst s0  }
0x9: {  	[smem:$0x3FA6] =	sst s1  }
0xa: {  	[smem:$0x3FA7] =	sst s2  }
0xb: {  	[smem:$0x3FA8] =	sst s3  }
0xc: {  	[smem:$0x3FA9] =	sst s4  }
0xd: {  	[smem:$0x3FAA] =	sst s5  }
0xe: {  	[smem:$0x3FAB] =	sst s6  }
0xf: {  	[smem:$0x3FAC] =	sst s7  }
0x10: {  	[smem:$0x3FAD] =	sst s8  }
0x11: {  	[smem:$0x3FAE] =	sst s9;
	s0 =	simm.s32 @!p0 $0x0  }
0x12: {  	s1 =	sld [smem:$0x3F94];
	s0 =	simm.s32 @p0 $0x1  }
0x13: {  	[smem:$0x3FAF] =	sst s0;
	s0 =	simm.s32 @!p1 $0x0  }
0x14: {  	s2 =	sld [smem:$0x3F93];
	s0 =	simm.s32 @p1 $0x1  }
0x15: {  	[smem:$0x3FB0] =	sst s0;
	s0 =	simm.s32 @!p2 $0x0  }
0x16: {  	s3 =	sld [smem:$0x3FDB];
	s0 =	simm.s32 @p2 $0x1  }
0x17: {  	s4 =	simm.s32 $0x1BF5;
	[smem:$0x3FB2] =	sst s0  }
0x18: {  	s0 =	sld [smem:$0x3F95];
	_ =	swait.ge [sflag:s4], $0x0  }
0x19: {  	s7 =	sld [smem:$0x3F96]  }
0x1a: {  	s8 =	sadd.s32 $0xFFFFE003, lr  }
0x1b: {  	s9 =	sadd.s32 $0xFFFFFEF7, lr;
	s5 =	simm.s32 $0xFFFFFFFF;
	p2 =	slt.u32 s8, $0xFFFFF086  }
0x1c: {  	p1 =	slt.u32 s9, $0xF7A;
	s5 =	simm.s32 @!p2 $0x0  }
0x1d: {  	s5 =	simm.s32 @p1 $0x1;
	p0 =	seq.s32 s7, s2  }
0x1e: {  	s7 =	smul.u32 @!p0 $0xF7A, s2;
	p2 =	seq.s32 @!p0 s5, $0x0  }
0x1f: {  	s9 =	smul.u32 $0xF7A, s1;
	s8 =	simm.s32 @!p0 $0x1BF5;
	p2 =	por !p2, p0  }
0x20: {  	[sflag:s8] =	ssyncset.s32 @!p0 $0xFFFFF086;
	s6 =	sadd.s32 @!p0 s3, s7;
	s7 =	simm.s32 @!p0 $0x108  }
0x21: {  	s3 =	sadd.s32 s3, s9;
	s6 =	sadd.s32 @!p0 $0x88, s6;
	s7 =	simm.s32 @p2 $0x1082  }
0x22: {  	[simem:s7], [sflag:s8] =	dma.local @!p0 [hbm:s6], $0xF7A  }
0x23: {  	s9 =	sor.u32 $0xD0000000, s2;
	s6 =	simm.s32 $0x108;
	_ =	swait.ge @!p0 [sflag:s8], $0x0  }
0x24: {  	s3 =	sadd.s32 $0x88, s3;
	s6 =	simm.s32 @!p1 $0x1082;
	[sflag:s4] =	ssyncset.s32 $0xFFFFF086  }
0x25: {  	[simem:s6], [sflag:s4] =	dma.local [hbm:s3], $0xF7A  }
0x26: {  	[smem:$0x3F96] =	sst s1;
	(tag) =	ssettag s2;
	_ =	strace s9  }
0x27: {  	s1 =	sld [smem:$0x3FA6]  }
0x28: {  	s2 =	sld [smem:$0x3FA7]  }
0x29: {  	s4 =	sld [smem:$0x3FA9]  }
0x2a: {  	p0 =	seq.s32 s5, $0x0;
	s5 =	sld [smem:$0x3FAA]  }
0x2b: {  	s6 =	sld [smem:$0x3FAB]  }
0x2c: {  	s7 =	sld [smem:$0x3FAC]  }
0x2d: {  	s3 =	simm.s32 $0x108;
	s8 =	sld [smem:$0x3FAD]  }
0x2e: {  	s3 =	simm.s32 @!p0 $0x1082;
	s9 =	sld [smem:$0x3FAE]  }
0x2f: {  	lr =	sadd.s32 s0, s3;
	s0 =	sld [smem:$0x3FA5]  }
0x30: {  	s3 =	sld [smem:$0x3FA8]  }
0x31: {  	[smem:$0x3FB1] =	sst s10  }
0x32: {  	s10 =	sld [smem:$0x3FAF];
	_ =	sdelay $0x3  }
0x33: {  	p0 =	seq.s32 s10, $0x1;
	s10 =	sld [smem:$0x3FB1];
	_ =	sdelay $0x3  }
0x34: {  	[smem:$0x3FB1] =	sst s10  }
0x35: {  	s10 =	sld [smem:$0x3FB0];
	_ =	sdelay $0x3  }
0x36: {  	p1 =	seq.s32 s10, $0x1;
	s10 =	sld [smem:$0x3FB1];
	_ =	sdelay $0x3  }
0x37: {  	[smem:$0x3FB1] =	sst s10  }
0x38: {  	s10 =	sld [smem:$0x3FB2]  }
0x39: {  	_ = 	snop;
	(pc) =	sbr.ind lr, $3  }
0x3a: {  	_ = 	snop  }
0x3b: {  	_ = 	snop  }
0x3c: {  	p2 =	seq.s32 s10, $0x1;
	s10 =	sld [smem:$0x3FB1]  }
0x3d: {  	_ =	shalt  }
0x3e: {  	_ =	shalt  }
0x3f: {  	_ =	shalt  }
0x40: {  	_ =	shalt  }
0x41: {  	_ =	shalt  }
0x42: {  	_ =	shalt  }
0x43: {  	_ =	shalt  }
0x44: {  	_ =	shalt  }
0x45: {  	_ =	shalt  }
0x46: {  	_ =	shalt  }
0x47: {  	_ =	shalt  }
0x48: {  	_ =	shalt  }
0x49: {  	_ =	shalt  }
0x4a: {  	_ =	shalt  }
0x4b: {  	_ =	shalt  }
0x4c: {  	_ =	shalt  }
0x4d: {  	_ =	shalt  }
0x4e: {  	_ =	shalt  }
0x4f: {  	_ =	shalt  }
0x50: {  	_ =	shalt  }
0x51: {  	_ =	shalt  }
0x52: {  	_ =	shalt  }
0x53: {  	_ =	shalt  }
0x54: {  	_ =	shalt  }
0x55: {  	_ =	shalt  }
0x56: {  	_ =	shalt  }
0x57: {  	_ =	shalt  }
0x58: {  	_ =	shalt  }
0x59: {  	_ =	shalt  }
0x5a: {  	_ =	shalt  }
0x5b: {  	_ =	shalt  }
0x5c: {  	_ =	shalt  }
0x5d: {  	_ =	shalt  }
0x5e: {  	_ =	shalt  }
0x5f: {  	_ =	shalt  }
0x60: {  	_ =	shalt  }
0x61: {  	_ =	shalt  }
0x62: {  	_ =	shalt  }
0x63: {  	_ =	shalt  }
0x64: {  	_ =	shalt  }
0x65: {  	_ =	shalt  }
0x66: {  	_ =	shalt  }
0x67: {  	_ =	shalt  }
0x68: {  	_ =	shalt  }
0x69: {  	_ =	shalt  }
0x6a: {  	_ =	shalt  }
0x6b: {  	_ =	shalt  }
0x6c: {  	_ =	shalt  }
0x6d: {  	_ =	shalt  }
0x6e: {  	_ =	shalt  }
0x6f: {  	_ =	shalt  }
0x70: {  	_ =	shalt  }
0x71: {  	_ =	shalt  }
0x72: {  	_ =	shalt  }
0x73: {  	_ =	shalt  }
0x74: {  	_ =	shalt  }
0x75: {  	_ =	shalt  }
0x76: {  	_ =	shalt  }
0x77: {  	_ =	shalt  }
0x78: {  	_ =	shalt  }
0x79: {  	_ =	shalt  }
0x7a: {  	_ =	shalt  }
0x7b: {  	_ =	shalt  }
0x7c: {  	_ =	shalt  }
0x7d: {  	_ =	shalt  }
0x7e: {  	_ =	shalt  }
0x7f: {  	_ =	shalt  }
0x80: {  	_ =	shalt  }
0x81: {  	_ =	shalt  }
0x82: {  	_ =	shalt  }
0x83: {  	_ =	shalt  }
0x84: {  	_ =	shalt  }
0x85: {  	_ =	shalt  }
0x86: {  	_ =	shalt  }
0x87: {  	_ =	shalt  }
.Lfunc_end0:
.L_simem_size_0:
called_computation_lowered:
.L_overlay_start_0:
0x88: {  	s2 =	sld [smem:$0x3FD9]  }
0x89: {  	s3 =	sld [smem:$0x3FFE];
	_ =	sdelay $0x1  }
0x8a: {  	s1 =	srdreg.scid  }
0x8b: {  	s0 =	sand.u32 $0x1, s1  }
0x8c: {  	s17 =	sshll.u32 s0, $0xA;
	s2 =	sadd.s32 s3, s2  }
0x8d: {  	s2 =	sadd.s32 s2, s17  }
0x8e: {  	[smem:$0x3FBD] =	sst s2  }
0x8f: {  	_ = 	snop  }
0x90: {  	s2 =	sld [smem:$0x3FD0];
	(tm) =	ssettm $0x1  }
0x91: {  	s18 =	sld [smem:$0x3FFB];
	_ =	sdelay $0x3  }
0x92: {  	_ =	strace s18  }
0x93: {  	s3 =	sld [smem:$0x3FFC];
	_ =	sdelay $0x3  }
0x94: {  	_ =	strace s3  }
0x95: {  	s3 =	sld [smem:$0x3FFD];
	_ =	sdelay $0x3  }
0x96: {  	_ =	strace s3  }
0x97: {  	_ =	strace $0x8FFFFFFF  }
0x98: {  	s19 =	sld [smem:$0x3FDB];
	_ =	sdelay $0x1  }
0x99: {  	s4 =	simm.s32 $_scs_section_size  }
0x9a: {  	s5 =	simm.s32 $_size__tile_overlayer_lowered;
	s6 =	simm.s32 $_tile_overlayer_lowered  }
0x9b: {  	s22 =	simm.s32 $0x1BFF;
	s21 =	sshll.u32 s6, $0x1;
	s3 =	sadd.s32 s4, s19  }
0x9c: {  	s7 =	simm.s32 $0x0;
	s20 =	sshll.u32 s5, $0x1;
	s5 =	sadd.s32 s21, s3  }
0x9d: {  	[timem:s7], [sflag:s22] =	dma.local [hbm:s5], s20  }
0x9e: {  	_ =	swait.ge [sflag:s22], s20  }
0x9f: {  	s4 =	ssub.s32 $0x0, s20;
	[sflag:s22] =	ssyncset.done $0x0  }
0xa0: {  	[sflag:s22] =	ssyncadd.s32 s4;
	_ =	sdelay $0x1  }
0xa1: {  	s23 =	simm.s32 $0x1B8B  }
0xa2: {  	_ =	swait.ge [sflag:s23], $0x1  }
0xa3: {  	[sflag:s23] =	ssyncset.done $0x0  }
0xa4: {  	s25 =	simm.s32 $0x1B8E;
	s24 =	sld [smem:$0x3FFE];
	[sflag:s23] =	ssyncadd.s32 $0xFFFFFFFF  }
0xa5: {  	s26 =	simm.s32 $execute0_lowered;
	[smem:$0x3FD2] =	sst s25  }
0xa6: {  	s5 =	sshll.u32 s26, $0x1;
	_ =	strace $0x80000046;
	[dreg:$0x1] =	wrdreg $0xFFFFFFFF  }
0xa7: {  	s28 =	simm.s32 $_size_execute0_lowered;
	s3 =	sadd.s32 s3, s5;
	[dreg:$0x0] =	wrdreg $0x0  }
0xa8: {  	s5 =	sshll.u32 s28, $0x1;
	[dreg:$0x2] =	wrdreg s3  }
0xa9: {  	[dreg:$0x3] =	wrdreg s5  }
0xaa: {  	[dreg:$0x4] =	wrdreg $0xC0  }
0xab: {  	_ =	task [dreg:s7], $0x5FFFF  }
0xac: {  	[dreg:$0x1] =	wrdreg $0xFFFFFFFF  }
0xad: {  	[dreg:$0x0] =	wrdreg $0x60  }
0xae: {  	[dreg:$0x2] =	wrdreg s24  }
0xaf: {  	[dreg:$0x3] =	wrdreg s2  }
0xb0: {  	[dreg:$0x4] =	wrdreg $0x9  }
0xb1: {  	_ =	task.clear_ibuf [dreg:s7], $0x5FFFF;
	_ =	strace $0x90000046  }
0xb2: {  	s29 =	simm.s32 $0x9;
	_ =	strace $0x80000048  }
0xb3: {  	_ =	swait.ge [sflag:s29], $0x1  }
0xb4: {  	[sflag:s29] =	ssyncadd.s32 $0xFFFFFFFF  }
0xb5: {  	_ =	strace $0x90000048  }
0xb6: {  	_ =	sfence  }
0xb7: {  	s30 =	sld [smem:$0x0];
	_ =	sdelay $0x2  }
0xb8: {  	s31 =	sshll.u32 s1, $0xD;
	s1 =	sshrl.u32 s1, $0x2  }
0xb9: {  	s3 =	sand.u32 $0x4000, s31;
	s1 =	sadd.s32 s1, s30  }
0xba: {  	s0 =	sor.u32 s3, s0;
	s1 =	sshll.u32 s1, $0x11  }
0xbb: {  	s0 =	sor.u32 s1, s0  }
0xbc: {  	s0 =	sadd.s32 $0x8F2B, s0  }
0xbd: {  	[sflag:s0] =	ssyncadd.remote.s32 $0x1  }
0xbe: {  	_ =	sfence.sel $0xFFFF  }
0xbf: {  	[dreg:$0x0] =	wrdreg $0xFFFFFFFF;
	(pc) =	sbr.abs _section_cstart, $3  }
0xc0: {  	[dreg:$0x1] =	wrdreg $0xFFFFFFFF  }
0xc1: {  	_ =	task.clear_ibuf [dreg:s7], $0x2FFFF;
	_ =	strace $0x9FFFFFFF  }
0xc2: {  	(tm) =	ssettm $0x7FFFFFFF  }
0xc3: {  	_ =	shalt  }
tec
execute0_lowered:
.L_overlay_start_1:
0x0: {  	(tag) =	ssettag $0x1  }
0x1: {  	s1 =	srdreg.scid  }
0x2: {  	s0 =	stileid.u32;
	s9 =	rddreg [dreg:$0x0]  }
0x3: {  	s3 =	rddreg [dreg:$0x1];
	s6 =	sand.u32 $0x1, s1;
	s30 =	sshll.u32 s0, $0x1  }
0x4: {  	s2 =	simm.s32 $0x0;
	s1 =	rddreg [dreg:$0x2];
	s7 =	sor.u32 s6, s30  }
0x5: {  	s8 =	simm.s32 $0x1;
	[smem:$0x7FF] =	sst s2;
	s4 =	smul.u32 $0x3, s7  }
0x6: {  	s5 =	sadd.s32 $0x188600, s9;
	_ =	strace $0x80000047;
	s11 =	ssub.s32 $0x2, s6  }
0x7: {  	s6 =	simm.s32 $0x18;
	s4 =	sadd.s32 s3, s4;
	s3 =	simm.s32 $0x2  }
0x8: {  	[tilespmem:s2], [sflag:$0x2] =	stream.linear.gather [hbm4b:s4+s2], $0x18, $0x38;
	[tilespmem:$0xC80] =	vst v63  }
0x9: {  	s10 =	smul.u32 $0x180, s7;
	s12 =	sshrl.u32 s11, $0x1;
	_ =	swait.ge [sflag:s3], $0x18  }
0xa: {  	s7 =	simm.s32 $0x80;
	s31 =	ssub.s32 s11, s12;
	[sflag:s3] =	ssyncset.done $0x0  }
0xb: {  	s9 =	sadd.s32 s10, s9;
	s10 =	smax.u32 s31, $0x1;
	[sflag:s3] =	ssyncadd.s32 $0xFFFFFFE8  }
0xc: {  	[tilespmem:s7], [sflag:$0x1] =	stream.indirect.gather [hbm4b:s5+s6], $0x80, s2, s6, $0xb8;
	[tilespmem:$0xC80] =	vst v63  }
0xd: {  	p0 =	sne.s32 s10, $0x1;
	_ =	swait.ge [sflag:s8], $0xC00  }
.Ltmp0:
0xe: {  	[sflag:s8] =	ssyncset.done $0x0;
	(pc) =	sbr.rel @!p0 .LBB2_2-.Ltmp0, $4  }
0xf: {  	s9 =	sadd.s32 $0x1C00, s9;
	[sflag:s8] =	ssyncadd.s32 $0xFFFFF400  }
0x10: {  	[hbm4b:s9+s2] =	stream.linear.scatter [tilespmem:s7], [sflag:$0x2], $0xC00, $0x38;
	[tilespmem:$0xC80] =	vst v63  }
0x11: {  	_ =	swait.ge [sflag:s3], $0xC00  }
0x12: {  	s10 =	sadd.s32 $0xFFFFFFFF, s10;
	[sflag:s3] =	ssyncset.done $0x0  }
.LBB2_1:
0x13: {  	p0 =	sne.s32 s10, $0x1;
	s10 =	sadd.s32 $0xFFFFFFFF, s10;
	[sflag:s3] =	ssyncadd.s32 $0xFFFFF400  }
0x14: {  	[tilespmem:s2], [sflag:$0x2] =	stream.linear.gather [hbm4b:s4+s2], $0x18, $0x38;
	[tilespmem:$0xC80] =	vst v63  }
0x15: {  	_ =	swait.ge [sflag:s3], $0x18  }
0x16: {  	[sflag:s3] =	ssyncset.done $0x0  }
0x17: {  	[sflag:s3] =	ssyncadd.s32 $0xFFFFFFE8  }
0x18: {  	[tilespmem:s7], [sflag:$0x1] =	stream.indirect.gather [hbm4b:s5+s6], $0x80, s2, s6, $0xb8;
	[tilespmem:$0xC80] =	vst v63  }
0x19: {  	_ =	swait.ge [sflag:s8], $0xC00  }
.Ltmp1:
0x1a: {  	[sflag:s8] =	ssyncset.done $0x0;
	(pc) =	sbr.rel @p0 .LBB2_1-.Ltmp1, $4  }
0x1b: {  	[sflag:s8] =	ssyncadd.s32 $0xFFFFF400  }
0x1c: {  	[hbm4b:s9+s2] =	stream.linear.scatter [tilespmem:s7], [sflag:$0x2], $0xC00, $0x38;
	[tilespmem:$0xC80] =	vst v63  }
0x1d: {  	_ =	swait.ge [sflag:s3], $0xC00  }
0x1e: {  	[sflag:s3] =	ssyncset.done $0x0  }
.LBB2_2:
0x1f: {  	[sflag:s3] =	ssyncadd.s32 $0xFFFFF400  }
0x20: {  	_ =	sfence.sel $0x180000  }
0x21: {  	[bflag:$0x0] =	sbarrier.arrive $0xFFFF  }
0x22: {  	p0 =	sne.s32 s0, $0x0;
	_ =	strace $0x90000047  }
0x23: {  	s0 =	sadd.s32 @!p0 $0x100000, s1;
	[bflag:$0x2] =	sbarrier.arrive $0xFFFF  }
0x24: {  	[sflag:s0] =	ssyncadd.tile.s32 @!p0 $0x1;
	_ =	shalt  }
.Lfunc_end2:
_tile_overlayer_lowered:
.L_overlay_start_2:
0x25: {  	(tag) =	ssettag $0x2  }
0x26: {  	s0 =	rddreg [dreg:$0x0];
	s2 =	stileid.u32  }
0x27: {  	s1 =	rddreg [dreg:$0x1];
	p0 =	sne.s32 s2, $0x0  }
0x28: {  	s3 =	rddreg [dreg:$0x2];
	[bflag:$0x3] =	sbarrier.arrive $0xFFFF;
	s2 =	simm.s32 @!p0 $0x1C02  }
0x29: {  	[timem:s3], [sflag:s2] =	dma.local @!p0 [hbm:s0], s1  }
0x2a: {  	s0 =	simm.s32 @!p0 $0x2  }
0x2b: {  	_ =	swait.ge @!p0 [sflag:s0], s1  }
0x2c: {  	s1 =	ssub.s32 @!p0 $0x0, s1;
	[sflag:s0] =	ssyncset.done @!p0 $0x0  }
0x2d: {  	[sflag:s0] =	ssyncadd.s32 @!p0 s1  }
0x2e: {  	[bflag:$0x3] =	sbarrier.arrive $0xFFFF  }
0x2f: {  	_ =	shalt  }

</sc_bundles>
